<compile_context>
chip_gen: v7x
topology: tpu7x:2x2x1
jax: 0.10.2.dev20260603
libtpu: 0.0.44.dev20260713+nightly
codegen_flags: <defaults>
</compile_context>

<pallas_src>
import functools

import jax
import jax.numpy as jnp
from jax import lax
from jax.experimental import pallas as pl
from jax.experimental.pallas import tpu as pltpu
from jax.experimental.pallas import tpu_sc as plsc

EMB = 128
NC, NS = 2, 16
NW = NC * NS


def _table_body(w0_ref, w1_ref, w2_ref, t_ref):
    c = lax.broadcasted_iota(jnp.int32, (64, 1), 0)
    i0, r = c // 12, c % 12
    i1, i2 = r // 2, r % 2

    def pick(idx, w_ref):
        acc = jnp.zeros((64, EMB), jnp.float32)
        for row in range(w_ref.shape[0]):
            acc = acc + (idx == row).astype(jnp.float32) * w_ref[row:row + 1, :]
        return acc

    t_ref[...] = (pick(i0, w0_ref) + pick(i1, w1_ref) + pick(i2, w2_ref))


def _build_table(W0, W1, W2):
    def pad8(w):
        return jnp.zeros((8, EMB), jnp.float32).at[:w.shape[0]].set(w)

    return pl.pallas_call(
        _table_body,
        out_shape=jax.ShapeDtypeStruct((64, EMB), jnp.float32),
    )(pad8(W0), pad8(W1), pad8(W2))


def _make_sc_kernel(E):
    per_w = E // NW
    chunk = 200
    sub = 40
    nsub = chunk // sub
    n_groups = per_w // (2 * chunk)
    assert E % (NW * 2 * chunk) == 0
    mesh = plsc.VectorSubcoreMesh(core_axis_name="c", subcore_axis_name="s")

    @functools.partial(
        pl.kernel, mesh=mesh,
        out_type=jax.ShapeDtypeStruct((E, EMB), jnp.float32),
        scratch_types=[
            pltpu.VMEM_SHARED((64, EMB), jnp.float32),
            pltpu.VMEM((per_w,), jnp.int32),
            pltpu.VMEM((per_w,), jnp.int32),
            pltpu.VMEM((per_w,), jnp.int32),
            pltpu.VMEM((per_w,), jnp.int32),
            pltpu.VMEM((chunk, EMB), jnp.float32),
            pltpu.VMEM((chunk, EMB), jnp.float32),
            pltpu.SemaphoreType.DMA,
            pltpu.SemaphoreType.DMA,
            pltpu.SemaphoreType.DMA,
        ])
    def k(attr_hbm, t_hbm, out_hbm, t_s, a0_v, a1_v, a2_v, codes_v, rows0,
          rows1, sem_g, sem_o0, sem_o1):
        wid = lax.axis_index("s") * NC + lax.axis_index("c")
        tile_base = wid * per_w
        @pl.when(lax.axis_index("s") == 0)
        def _():
            pltpu.sync_copy(t_hbm, t_s)
        plsc.subcore_barrier()

        hs_a = [pltpu.async_copy(
                    attr_hbm.at[pl.ds(c * E + tile_base, per_w)], av, sem_g)
                for c, av in enumerate((a0_v, a1_v, a2_v))]
        for h in hs_a:
            h.wait()

        rows = (rows0, rows1)
        sems_o = (sem_o0, sem_o1)

        def chunk_body(g, carry):
            pair_base = 2 * g * chunk
            for j in range(2 * chunk // 16):
                s = pl.ds(pair_base + j * 16, 16)
                codes_v[s] = a0_v[s] * 12 + a1_v[s] * 2 + a2_v[s]
            for b in range(2):
                base = (2 * g + b) * chunk
                rb, so = rows[b], sems_o[b]

                @pl.when(g >= 1)
                def _():
                    pltpu.make_async_copy(
                        rb, out_hbm.at[pl.ds(tile_base + base, chunk)],
                        so).wait()

                hs = [pltpu.async_copy(
                          t_s.at[codes_v.at[pl.ds(base + j * sub, sub)]],
                          rb.at[pl.ds(j * sub, sub)], sem_g)
                      for j in range(nsub)]
                for h in hs:
                    h.wait()
                pltpu.async_copy(
                    rb, out_hbm.at[pl.ds(tile_base + base, chunk)], so)
            return carry

        lax.fori_loop(0, n_groups, chunk_body, 0)

        for b in range(2):
            base = (2 * (n_groups - 1) + b) * chunk
            pltpu.make_async_copy(
                rows[b], out_hbm.at[pl.ds(tile_base + base, chunk)],
                sems_o[b]).wait()

    return k


def kernel(edge_attr, W0, W1, W2):
    E = edge_attr.shape[0]
    attr = edge_attr.astype(jnp.int32).T.reshape(-1)
    t = _build_table(W0, W1, W2)
    return _make_sc_kernel(E)(attr, t)

# --- scband reference (transcript-rebuilt; emitter-appended) ---
"""Pipeline reference for scband-bond-encoder-2765958938883 (READ-ONLY COPY).

The authoritative reference and input builder live on the scoring server;
editing this copy changes nothing except your own understanding.
"""

import jax, jax.numpy as jnp
import numpy as np

FULL_BOND_FEATURE_DIMS = [5, 6, 2]
EMB_DIM = 128
E = 320000


def setup_inputs(seed: int = 0) -> dict:
    key = jax.random.key(seed)
    k_idx, k0, k1, k2 = jax.random.split(key, 4)
    edge_attr = jax.random.randint(k_idx, (E, 3), 0, 2, dtype=jnp.int64 if jax.config.jax_enable_x64 else jnp.int32)
    # xavier-uniform-like init for each embedding table
    def xavier(k, fan_in, fan_out):
        limit = float(np.sqrt(6.0 / (fan_in + fan_out)))
        return jax.random.uniform(k, (fan_in, fan_out), minval=-limit, maxval=limit, dtype=jnp.float32)
    W0 = xavier(k0, FULL_BOND_FEATURE_DIMS[0], EMB_DIM)
    W1 = xavier(k1, FULL_BOND_FEATURE_DIMS[1], EMB_DIM)
    W2 = xavier(k2, FULL_BOND_FEATURE_DIMS[2], EMB_DIM)
    return {"edge_attr": edge_attr, "W0": W0, "W1": W1, "W2": W2}


def reference(edge_attr, W0, W1, W2):
    # bond_embedding = sum_i Embedding_i(edge_attr[:, i])
    bond_embedding = jnp.take(W0, edge_attr[:, 0], axis=0)
    bond_embedding = bond_embedding + jnp.take(W1, edge_attr[:, 1], axis=0)
    bond_embedding = bond_embedding + jnp.take(W2, edge_attr[:, 2], axis=0)
    return bond_embedding

if __name__ == "__main__":
    import jax
    _d = setup_inputs()
    print(jax.jit(kernel)(*tuple(_d.values())))

</pallas_src>

<mosaic_0001>
#map = affine_map<(d0, d1) -> (0)>
#map1 = affine_map<(d0, d1) -> (0, 0)>
module attributes {stable_mosaic.version = 14 : i64} {
  func.func @k(%arg0: i32, %arg1: i32, %arg2: memref<960000xi32, #tpu.memory_space<hbm>>, %arg3: memref<64x128xf32, #tpu.memory_space<hbm>>, %arg4: memref<320000x128xf32, #tpu.memory_space<hbm>>, %arg5: memref<64x128xf32, #tpu.memory_space<vmem_shared>>, %arg6: memref<10000xi32, #tpu.memory_space<vmem>>, %arg7: memref<10000xi32, #tpu.memory_space<vmem>>, %arg8: memref<10000xi32, #tpu.memory_space<vmem>>, %arg9: memref<10000xi32, #tpu.memory_space<vmem>>, %arg10: memref<200x128xf32, #tpu.memory_space<vmem>>, %arg11: memref<200x128xf32, #tpu.memory_space<vmem>>, %arg12: memref<!tpu.dma_semaphore, #tpu.memory_space<semaphore_mem>>, %arg13: memref<!tpu.dma_semaphore, #tpu.memory_space<semaphore_mem>>, %arg14: memref<!tpu.dma_semaphore, #tpu.memory_space<semaphore_mem>>) attributes {dimension_semantics = [#tpu.dimension_semantics<core_parallel>, #tpu.dimension_semantics<subcore_parallel>], iteration_bounds = array<i64: 2, 16>, scalar_prefetch = 0 : i64, scratch_operands = 10 : i64, tpu.core_type = #tpu.core_type<sc_vector_subcore>, window_params = [{transform_indices = #map}, {transform_indices = #map1}, {transform_indices = #map1}]} {
    %mul3A = arith.constant 2 : i32
    %mul3A_0 = arith.muli %arg1, %mul3A : i32
    %add3A = arith.addi %mul3A_0, %arg0 : i32
    %mul3A_1 = arith.constant 10000 : i32
    %mul3A_2 = arith.muli %add3A, %mul3A_1 : i32
    %eq3A = arith.constant 0 : i32
    %eq3A_3 = arith.cmpi eq, %arg1, %eq3A : i32
    %convert_element_type3A = arith.extui %eq3A_3 : i1 to i32
    %cond3A = arith.constant 0 : i32
    %cond3A_4 = arith.cmpi ne, %convert_element_type3A, %cond3A : i32
    scf.if %cond3A_4 {
      "tpu.region"() ({
        %run_scoped3A = tpu.sem_alloc : memref<!tpu.dma_semaphore, #tpu.memory_space<semaphore_mem>>
        tpu.enqueue_dma source(%arg3 : memref<64x128xf32, #tpu.memory_space<hbm>>) target(%arg5 : memref<64x128xf32, #tpu.memory_space<vmem_shared>>) target_semaphore(%run_scoped3A : memref<!tpu.dma_semaphore, #tpu.memory_space<semaphore_mem>>)
        tpu.wait_dma2 semaphore(%run_scoped3A : memref<!tpu.dma_semaphore, #tpu.memory_space<semaphore_mem>>) src(%arg3 : memref<64x128xf32, #tpu.memory_space<hbm>>) dst(%arg5 : memref<64x128xf32, #tpu.memory_space<vmem_shared>>)
        tpu.yield
      }) : () -> ()
    } else {
    }
    %barrier3A = arith.constant 0 : index
    tpu.barrier barrier_id(%barrier3A)
    %add3A_5 = arith.constant 0 : i32
    %add3A_6 = arith.addi %add3A_5, %mul3A_2 : i32
    %dma_start3A = tpu.memref_slice %arg2[%add3A_6] : memref<960000xi32, #tpu.memory_space<hbm>> -> memref<10000xi32, #tpu.memory_space<hbm>>
    %dma_start3A_7 = tpu.memref_slice %arg2[%add3A_6] : memref<960000xi32, #tpu.memory_space<hbm>> -> memref<10000xi32, #tpu.memory_space<hbm>>
    tpu.enqueue_dma source(%dma_start3A_7 : memref<10000xi32, #tpu.memory_space<hbm>>) target(%arg6 : memref<10000xi32, #tpu.memory_space<vmem>>) target_semaphore(%arg12 : memref<!tpu.dma_semaphore, #tpu.memory_space<semaphore_mem>>)
    %add3A_8 = arith.constant 320000 : i32
    %add3A_9 = arith.addi %add3A_8, %mul3A_2 : i32
    %dma_start3A_10 = tpu.memref_slice %arg2[%add3A_9] : memref<960000xi32, #tpu.memory_space<hbm>> -> memref<10000xi32, #tpu.memory_space<hbm>>
    %dma_start3A_11 = tpu.memref_slice %arg2[%add3A_9] : memref<960000xi32, #tpu.memory_space<hbm>> -> memref<10000xi32, #tpu.memory_space<hbm>>
    tpu.enqueue_dma source(%dma_start3A_11 : memref<10000xi32, #tpu.memory_space<hbm>>) target(%arg7 : memref<10000xi32, #tpu.memory_space<vmem>>) target_semaphore(%arg12 : memref<!tpu.dma_semaphore, #tpu.memory_space<semaphore_mem>>)
    %add3A_12 = arith.constant 640000 : i32
    %add3A_13 = arith.addi %add3A_12, %mul3A_2 : i32
    %dma_start3A_14 = tpu.memref_slice %arg2[%add3A_13] : memref<960000xi32, #tpu.memory_space<hbm>> -> memref<10000xi32, #tpu.memory_space<hbm>>
    %dma_start3A_15 = tpu.memref_slice %arg2[%add3A_13] : memref<960000xi32, #tpu.memory_space<hbm>> -> memref<10000xi32, #tpu.memory_space<hbm>>
    tpu.enqueue_dma source(%dma_start3A_15 : memref<10000xi32, #tpu.memory_space<hbm>>) target(%arg8 : memref<10000xi32, #tpu.memory_space<vmem>>) target_semaphore(%arg12 : memref<!tpu.dma_semaphore, #tpu.memory_space<semaphore_mem>>)
    %dma_wait3A = tpu.memref_slice %arg2[%add3A_6] : memref<960000xi32, #tpu.memory_space<hbm>> -> memref<10000xi32, #tpu.memory_space<hbm>>
    %dma_wait3A_16 = tpu.memref_slice %arg2[%add3A_6] : memref<960000xi32, #tpu.memory_space<hbm>> -> memref<10000xi32, #tpu.memory_space<hbm>>
    tpu.wait_dma2 semaphore(%arg12 : memref<!tpu.dma_semaphore, #tpu.memory_space<semaphore_mem>>) src(%dma_wait3A_16 : memref<10000xi32, #tpu.memory_space<hbm>>) dst(%arg6 : memref<10000xi32, #tpu.memory_space<vmem>>)
    %dma_wait3A_17 = tpu.memref_slice %arg2[%add3A_9] : memref<960000xi32, #tpu.memory_space<hbm>> -> memref<10000xi32, #tpu.memory_space<hbm>>
    %dma_wait3A_18 = tpu.memref_slice %arg2[%add3A_9] : memref<960000xi32, #tpu.memory_space<hbm>> -> memref<10000xi32, #tpu.memory_space<hbm>>
    tpu.wait_dma2 semaphore(%arg12 : memref<!tpu.dma_semaphore, #tpu.memory_space<semaphore_mem>>) src(%dma_wait3A_18 : memref<10000xi32, #tpu.memory_space<hbm>>) dst(%arg7 : memref<10000xi32, #tpu.memory_space<vmem>>)
    %dma_wait3A_19 = tpu.memref_slice %arg2[%add3A_13] : memref<960000xi32, #tpu.memory_space<hbm>> -> memref<10000xi32, #tpu.memory_space<hbm>>
    %dma_wait3A_20 = tpu.memref_slice %arg2[%add3A_13] : memref<960000xi32, #tpu.memory_space<hbm>> -> memref<10000xi32, #tpu.memory_space<hbm>>
    tpu.wait_dma2 semaphore(%arg12 : memref<!tpu.dma_semaphore, #tpu.memory_space<semaphore_mem>>) src(%dma_wait3A_20 : memref<10000xi32, #tpu.memory_space<hbm>>) dst(%arg8 : memref<10000xi32, #tpu.memory_space<vmem>>)
    %scan3A = arith.constant 0 : i32
    %scan3A_21 = arith.constant 0 : i32
    %scan3A_22 = arith.constant 25 : i32
    %scan3A_23 = arith.addi %scan3A_21, %scan3A_22 : i32
    %scan3A_24 = arith.constant 1 : i32
    scf.for %scan3A_38 = %scan3A_21 to %scan3A_23 step %scan3A_24  : i32 {
      %mul3A_39 = arith.constant 2 : i32
      %mul3A_40 = arith.muli %mul3A_39, %scan3A_38 : i32
      %mul3A_41 = arith.constant 200 : i32
      %mul3A_42 = arith.muli %mul3A_40, %mul3A_41 : i32
      %add3A_43 = arith.constant 0 : i32
      %add3A_44 = arith.addi %mul3A_42, %add3A_43 : i32
      %get3A = arith.index_cast %add3A_44 : i32 to index
      %get3A_45 = tpu.vector_load %arg6[%get3A] {strides = array<i32>} : memref<10000xi32, #tpu.memory_space<vmem>>, vector<16xi32>,
      %get3A_46 = vector.shape_cast %get3A_45 : vector<16xi32> to vector<16xi32>
      %mul3A_47 = arith.constant 12 : i32
      %mul3A_48 = vector.broadcast %mul3A_47 : i32 to vector<16xi32>
      %mul3A_49 = arith.muli %get3A_46, %mul3A_48 : vector<16xi32>
      %get3A_50 = arith.index_cast %add3A_44 : i32 to index
      %get3A_51 = tpu.vector_load %arg7[%get3A_50] {strides = array<i32>} : memref<10000xi32, #tpu.memory_space<vmem>>, vector<16xi32>,
      %get3A_52 = vector.shape_cast %get3A_51 : vector<16xi32> to vector<16xi32>
      %mul3A_53 = arith.constant 2 : i32
      %mul3A_54 = vector.broadcast %mul3A_53 : i32 to vector<16xi32>
      %mul3A_55 = arith.muli %get3A_52, %mul3A_54 : vector<16xi32>
      %add3A_56 = arith.addi %mul3A_49, %mul3A_55 : vector<16xi32>
      %get3A_57 = arith.index_cast %add3A_44 : i32 to index
      %get3A_58 = tpu.vector_load %arg8[%get3A_57] {strides = array<i32>} : memref<10000xi32, #tpu.memory_space<vmem>>, vector<16xi32>,
      %get3A_59 = vector.shape_cast %get3A_58 : vector<16xi32> to vector<16xi32>
      %add3A_60 = arith.addi %add3A_56, %get3A_59 : vector<16xi32>
      %swap3A = arith.index_cast %add3A_44 : i32 to index
      %swap3A_61 = tpu.vector_load %arg9[%swap3A] {strides = array<i32>} : memref<10000xi32, #tpu.memory_space<vmem>>, vector<16xi32>,
      %swap3A_62 = vector.shape_cast %swap3A_61 : vector<16xi32> to vector<16xi32>
      %swap3A_63 = vector.shape_cast %add3A_60 : vector<16xi32> to vector<16xi32>
      tpu.vector_store %arg9[%swap3A], %swap3A_63 {strides = array<i32>} : memref<10000xi32, #tpu.memory_space<vmem>>, vector<16xi32>,
      %add3A_64 = arith.constant 16 : i32
      %add3A_65 = arith.addi %mul3A_42, %add3A_64 : i32
      %get3A_66 = arith.index_cast %add3A_65 : i32 to index
      %get3A_67 = tpu.vector_load %arg6[%get3A_66] {strides = array<i32>} : memref<10000xi32, #tpu.memory_space<vmem>>, vector<16xi32>,
      %get3A_68 = vector.shape_cast %get3A_67 : vector<16xi32> to vector<16xi32>
      %mul3A_69 = arith.constant 12 : i32
      %mul3A_70 = vector.broadcast %mul3A_69 : i32 to vector<16xi32>
      %mul3A_71 = arith.muli %get3A_68, %mul3A_70 : vector<16xi32>
      %get3A_72 = arith.index_cast %add3A_65 : i32 to index
      %get3A_73 = tpu.vector_load %arg7[%get3A_72] {strides = array<i32>} : memref<10000xi32, #tpu.memory_space<vmem>>, vector<16xi32>,
      %get3A_74 = vector.shape_cast %get3A_73 : vector<16xi32> to vector<16xi32>
      %mul3A_75 = arith.constant 2 : i32
      %mul3A_76 = vector.broadcast %mul3A_75 : i32 to vector<16xi32>
      %mul3A_77 = arith.muli %get3A_74, %mul3A_76 : vector<16xi32>
      %add3A_78 = arith.addi %mul3A_71, %mul3A_77 : vector<16xi32>
      %get3A_79 = arith.index_cast %add3A_65 : i32 to index
      %get3A_80 = tpu.vector_load %arg8[%get3A_79] {strides = array<i32>} : memref<10000xi32, #tpu.memory_space<vmem>>, vector<16xi32>,
      %get3A_81 = vector.shape_cast %get3A_80 : vector<16xi32> to vector<16xi32>
      %add3A_82 = arith.addi %add3A_78, %get3A_81 : vector<16xi32>
      %swap3A_83 = arith.index_cast %add3A_65 : i32 to index
      %swap3A_84 = tpu.vector_load %arg9[%swap3A_83] {strides = array<i32>} : memref<10000xi32, #tpu.memory_space<vmem>>, vector<16xi32>,
      %swap3A_85 = vector.shape_cast %swap3A_84 : vector<16xi32> to vector<16xi32>
      %swap3A_86 = vector.shape_cast %add3A_82 : vector<16xi32> to vector<16xi32>
      tpu.vector_store %arg9[%swap3A_83], %swap3A_86 {strides = array<i32>} : memref<10000xi32, #tpu.memory_space<vmem>>, vector<16xi32>,
      %add3A_87 = arith.constant 32 : i32
      %add3A_88 = arith.addi %mul3A_42, %add3A_87 : i32
      %get3A_89 = arith.index_cast %add3A_88 : i32 to index
      %get3A_90 = tpu.vector_load %arg6[%get3A_89] {strides = array<i32>} : memref<10000xi32, #tpu.memory_space<vmem>>, vector<16xi32>,
      %get3A_91 = vector.shape_cast %get3A_90 : vector<16xi32> to vector<16xi32>
      %mul3A_92 = arith.constant 12 : i32
      %mul3A_93 = vector.broadcast %mul3A_92 : i32 to vector<16xi32>
      %mul3A_94 = arith.muli %get3A_91, %mul3A_93 : vector<16xi32>
      %get3A_95 = arith.index_cast %add3A_88 : i32 to index
      %get3A_96 = tpu.vector_load %arg7[%get3A_95] {strides = array<i32>} : memref<10000xi32, #tpu.memory_space<vmem>>, vector<16xi32>,
      %get3A_97 = vector.shape_cast %get3A_96 : vector<16xi32> to vector<16xi32>
      %mul3A_98 = arith.constant 2 : i32
      %mul3A_99 = vector.broadcast %mul3A_98 : i32 to vector<16xi32>
      %mul3A_100 = arith.muli %get3A_97, %mul3A_99 : vector<16xi32>
      %add3A_101 = arith.addi %mul3A_94, %mul3A_100 : vector<16xi32>
      %get3A_102 = arith.index_cast %add3A_88 : i32 to index
      %get3A_103 = tpu.vector_load %arg8[%get3A_102] {strides = array<i32>} : memref<10000xi32, #tpu.memory_space<vmem>>, vector<16xi32>,
      %get3A_104 = vector.shape_cast %get3A_103 : vector<16xi32> to vector<16xi32>
      %add3A_105 = arith.addi %add3A_101, %get3A_104 : vector<16xi32>
      %swap3A_106 = arith.index_cast %add3A_88 : i32 to index
      %swap3A_107 = tpu.vector_load %arg9[%swap3A_106] {strides = array<i32>} : memref<10000xi32, #tpu.memory_space<vmem>>, vector<16xi32>,
      %swap3A_108 = vector.shape_cast %swap3A_107 : vector<16xi32> to vector<16xi32>
      %swap3A_109 = vector.shape_cast %add3A_105 : vector<16xi32> to vector<16xi32>
      tpu.vector_store %arg9[%swap3A_106], %swap3A_109 {strides = array<i32>} : memref<10000xi32, #tpu.memory_space<vmem>>, vector<16xi32>,
      %add3A_110 = arith.constant 48 : i32
      %add3A_111 = arith.addi %mul3A_42, %add3A_110 : i32
      %get3A_112 = arith.index_cast %add3A_111 : i32 to index
      %get3A_113 = tpu.vector_load %arg6[%get3A_112] {strides = array<i32>} : memref<10000xi32, #tpu.memory_space<vmem>>, vector<16xi32>,
      %get3A_114 = vector.shape_cast %get3A_113 : vector<16xi32> to vector<16xi32>
      %mul3A_115 = arith.constant 12 : i32
      %mul3A_116 = vector.broadcast %mul3A_115 : i32 to vector<16xi32>
      %mul3A_117 = arith.muli %get3A_114, %mul3A_116 : vector<16xi32>
      %get3A_118 = arith.index_cast %add3A_111 : i32 to index
      %get3A_119 = tpu.vector_load %arg7[%get3A_118] {strides = array<i32>} : memref<10000xi32, #tpu.memory_space<vmem>>, vector<16xi32>,
      %get3A_120 = vector.shape_cast %get3A_119 : vector<16xi32> to vector<16xi32>
      %mul3A_121 = arith.constant 2 : i32
      %mul3A_122 = vector.broadcast %mul3A_121 : i32 to vector<16xi32>
      %mul3A_123 = arith.muli %get3A_120, %mul3A_122 : vector<16xi32>
      %add3A_124 = arith.addi %mul3A_117, %mul3A_123 : vector<16xi32>
      %get3A_125 = arith.index_cast %add3A_111 : i32 to index
      %get3A_126 = tpu.vector_load %arg8[%get3A_125] {strides = array<i32>} : memref<10000xi32, #tpu.memory_space<vmem>>, vector<16xi32>,
      %get3A_127 = vector.shape_cast %get3A_126 : vector<16xi32> to vector<16xi32>
      %add3A_128 = arith.addi %add3A_124, %get3A_127 : vector<16xi32>
      %swap3A_129 = arith.index_cast %add3A_111 : i32 to index
      %swap3A_130 = tpu.vector_load %arg9[%swap3A_129] {strides = array<i32>} : memref<10000xi32, #tpu.memory_space<vmem>>, vector<16xi32>,
      %swap3A_131 = vector.shape_cast %swap3A_130 : vector<16xi32> to vector<16xi32>
      %swap3A_132 = vector.shape_cast %add3A_128 : vector<16xi32> to vector<16xi32>
      tpu.vector_store %arg9[%swap3A_129], %swap3A_132 {strides = array<i32>} : memref<10000xi32, #tpu.memory_space<vmem>>, vector<16xi32>,
      %add3A_133 = arith.constant 64 : i32
      %add3A_134 = arith.addi %mul3A_42, %add3A_133 : i32
      %get3A_135 = arith.index_cast %add3A_134 : i32 to index
      %get3A_136 = tpu.vector_load %arg6[%get3A_135] {strides = array<i32>} : memref<10000xi32, #tpu.memory_space<vmem>>, vector<16xi32>,
      %get3A_137 = vector.shape_cast %get3A_136 : vector<16xi32> to vector<16xi32>
      %mul3A_138 = arith.constant 12 : i32
      %mul3A_139 = vector.broadcast %mul3A_138 : i32 to vector<16xi32>
      %mul3A_140 = arith.muli %get3A_137, %mul3A_139 : vector<16xi32>
      %get3A_141 = arith.index_cast %add3A_134 : i32 to index
      %get3A_142 = tpu.vector_load %arg7[%get3A_141] {strides = array<i32>} : memref<10000xi32, #tpu.memory_space<vmem>>, vector<16xi32>,
      %get3A_143 = vector.shape_cast %get3A_142 : vector<16xi32> to vector<16xi32>
      %mul3A_144 = arith.constant 2 : i32
      %mul3A_145 = vector.broadcast %mul3A_144 : i32 to vector<16xi32>
      %mul3A_146 = arith.muli %get3A_143, %mul3A_145 : vector<16xi32>
      %add3A_147 = arith.addi %mul3A_140, %mul3A_146 : vector<16xi32>
      %get3A_148 = arith.index_cast %add3A_134 : i32 to index
      %get3A_149 = tpu.vector_load %arg8[%get3A_148] {strides = array<i32>} : memref<10000xi32, #tpu.memory_space<vmem>>, vector<16xi32>,
      %get3A_150 = vector.shape_cast %get3A_149 : vector<16xi32> to vector<16xi32>
      %add3A_151 = arith.addi %add3A_147, %get3A_150 : vector<16xi32>
      %swap3A_152 = arith.index_cast %add3A_134 : i32 to index
      %swap3A_153 = tpu.vector_load %arg9[%swap3A_152] {strides = array<i32>} : memref<10000xi32, #tpu.memory_space<vmem>>, vector<16xi32>,
      %swap3A_154 = vector.shape_cast %swap3A_153 : vector<16xi32> to vector<16xi32>
      %swap3A_155 = vector.shape_cast %add3A_151 : vector<16xi32> to vector<16xi32>
      tpu.vector_store %arg9[%swap3A_152], %swap3A_155 {strides = array<i32>} : memref<10000xi32, #tpu.memory_space<vmem>>, vector<16xi32>,
      %add3A_156 = arith.constant 80 : i32
      %add3A_157 = arith.addi %mul3A_42, %add3A_156 : i32
      %get3A_158 = arith.index_cast %add3A_157 : i32 to index
      %get3A_159 = tpu.vector_load %arg6[%get3A_158] {strides = array<i32>} : memref<10000xi32, #tpu.memory_space<vmem>>, vector<16xi32>,
      %get3A_160 = vector.shape_cast %get3A_159 : vector<16xi32> to vector<16xi32>
      %mul3A_161 = arith.constant 12 : i32
      %mul3A_162 = vector.broadcast %mul3A_161 : i32 to vector<16xi32>
      %mul3A_163 = arith.muli %get3A_160, %mul3A_162 : vector<16xi32>
      %get3A_164 = arith.index_cast %add3A_157 : i32 to index
      %get3A_165 = tpu.vector_load %arg7[%get3A_164] {strides = array<i32>} : memref<10000xi32, #tpu.memory_space<vmem>>, vector<16xi32>,
      %get3A_166 = vector.shape_cast %get3A_165 : vector<16xi32> to vector<16xi32>
      %mul3A_167 = arith.constant 2 : i32
      %mul3A_168 = vector.broadcast %mul3A_167 : i32 to vector<16xi32>
      %mul3A_169 = arith.muli %get3A_166, %mul3A_168 : vector<16xi32>
      %add3A_170 = arith.addi %mul3A_163, %mul3A_169 : vector<16xi32>
      %get3A_171 = arith.index_cast %add3A_157 : i32 to index
      %get3A_172 = tpu.vector_load %arg8[%get3A_171] {strides = array<i32>} : memref<10000xi32, #tpu.memory_space<vmem>>, vector<16xi32>,
      %get3A_173 = vector.shape_cast %get3A_172 : vector<16xi32> to vector<16xi32>
      %add3A_174 = arith.addi %add3A_170, %get3A_173 : vector<16xi32>
      %swap3A_175 = arith.index_cast %add3A_157 : i32 to index
      %swap3A_176 = tpu.vector_load %arg9[%swap3A_175] {strides = array<i32>} : memref<10000xi32, #tpu.memory_space<vmem>>, vector<16xi32>,
      %swap3A_177 = vector.shape_cast %swap3A_176 : vector<16xi32> to vector<16xi32>
      %swap3A_178 = vector.shape_cast %add3A_174 : vector<16xi32> to vector<16xi32>
      tpu.vector_store %arg9[%swap3A_175], %swap3A_178 {strides = array<i32>} : memref<10000xi32, #tpu.memory_space<vmem>>, vector<16xi32>,
      %add3A_179 = arith.constant 96 : i32
      %add3A_180 = arith.addi %mul3A_42, %add3A_179 : i32
      %get3A_181 = arith.index_cast %add3A_180 : i32 to index
      %get3A_182 = tpu.vector_load %arg6[%get3A_181] {strides = array<i32>} : memref<10000xi32, #tpu.memory_space<vmem>>, vector<16xi32>,
      %get3A_183 = vector.shape_cast %get3A_182 : vector<16xi32> to vector<16xi32>
      %mul3A_184 = arith.constant 12 : i32
      %mul3A_185 = vector.broadcast %mul3A_184 : i32 to vector<16xi32>
      %mul3A_186 = arith.muli %get3A_183, %mul3A_185 : vector<16xi32>
      %get3A_187 = arith.index_cast %add3A_180 : i32 to index
      %get3A_188 = tpu.vector_load %arg7[%get3A_187] {strides = array<i32>} : memref<10000xi32, #tpu.memory_space<vmem>>, vector<16xi32>,
      %get3A_189 = vector.shape_cast %get3A_188 : vector<16xi32> to vector<16xi32>
      %mul3A_190 = arith.constant 2 : i32
      %mul3A_191 = vector.broadcast %mul3A_190 : i32 to vector<16xi32>
      %mul3A_192 = arith.muli %get3A_189, %mul3A_191 : vector<16xi32>
      %add3A_193 = arith.addi %mul3A_186, %mul3A_192 : vector<16xi32>
      %get3A_194 = arith.index_cast %add3A_180 : i32 to index
      %get3A_195 = tpu.vector_load %arg8[%get3A_194] {strides = array<i32>} : memref<10000xi32, #tpu.memory_space<vmem>>, vector<16xi32>,
      %get3A_196 = vector.shape_cast %get3A_195 : vector<16xi32> to vector<16xi32>
      %add3A_197 = arith.addi %add3A_193, %get3A_196 : vector<16xi32>
      %swap3A_198 = arith.index_cast %add3A_180 : i32 to index
      %swap3A_199 = tpu.vector_load %arg9[%swap3A_198] {strides = array<i32>} : memref<10000xi32, #tpu.memory_space<vmem>>, vector<16xi32>,
      %swap3A_200 = vector.shape_cast %swap3A_199 : vector<16xi32> to vector<16xi32>
      %swap3A_201 = vector.shape_cast %add3A_197 : vector<16xi32> to vector<16xi32>
      tpu.vector_store %arg9[%swap3A_198], %swap3A_201 {strides = array<i32>} : memref<10000xi32, #tpu.memory_space<vmem>>, vector<16xi32>,
      %add3A_202 = arith.constant 112 : i32
      %add3A_203 = arith.addi %mul3A_42, %add3A_202 : i32
      %get3A_204 = arith.index_cast %add3A_203 : i32 to index
      %get3A_205 = tpu.vector_load %arg6[%get3A_204] {strides = array<i32>} : memref<10000xi32, #tpu.memory_space<vmem>>, vector<16xi32>,
      %get3A_206 = vector.shape_cast %get3A_205 : vector<16xi32> to vector<16xi32>
      %mul3A_207 = arith.constant 12 : i32
      %mul3A_208 = vector.broadcast %mul3A_207 : i32 to vector<16xi32>
      %mul3A_209 = arith.muli %get3A_206, %mul3A_208 : vector<16xi32>
      %get3A_210 = arith.index_cast %add3A_203 : i32 to index
      %get3A_211 = tpu.vector_load %arg7[%get3A_210] {strides = array<i32>} : memref<10000xi32, #tpu.memory_space<vmem>>, vector<16xi32>,
      %get3A_212 = vector.shape_cast %get3A_211 : vector<16xi32> to vector<16xi32>
      %mul3A_213 = arith.constant 2 : i32
      %mul3A_214 = vector.broadcast %mul3A_213 : i32 to vector<16xi32>
      %mul3A_215 = arith.muli %get3A_212, %mul3A_214 : vector<16xi32>
      %add3A_216 = arith.addi %mul3A_209, %mul3A_215 : vector<16xi32>
      %get3A_217 = arith.index_cast %add3A_203 : i32 to index
      %get3A_218 = tpu.vector_load %arg8[%get3A_217] {strides = array<i32>} : memref<10000xi32, #tpu.memory_space<vmem>>, vector<16xi32>,
      %get3A_219 = vector.shape_cast %get3A_218 : vector<16xi32> to vector<16xi32>
      %add3A_220 = arith.addi %add3A_216, %get3A_219 : vector<16xi32>
      %swap3A_221 = arith.index_cast %add3A_203 : i32 to index
      %swap3A_222 = tpu.vector_load %arg9[%swap3A_221] {strides = array<i32>} : memref<10000xi32, #tpu.memory_space<vmem>>, vector<16xi32>,
      %swap3A_223 = vector.shape_cast %swap3A_222 : vector<16xi32> to vector<16xi32>
      %swap3A_224 = vector.shape_cast %add3A_220 : vector<16xi32> to vector<16xi32>
      tpu.vector_store %arg9[%swap3A_221], %swap3A_224 {strides = array<i32>} : memref<10000xi32, #tpu.memory_space<vmem>>, vector<16xi32>,
      %add3A_225 = arith.constant 128 : i32
      %add3A_226 = arith.addi %mul3A_42, %add3A_225 : i32
      %get3A_227 = arith.index_cast %add3A_226 : i32 to index
      %get3A_228 = tpu.vector_load %arg6[%get3A_227] {strides = array<i32>} : memref<10000xi32, #tpu.memory_space<vmem>>, vector<16xi32>,
      %get3A_229 = vector.shape_cast %get3A_228 : vector<16xi32> to vector<16xi32>
      %mul3A_230 = arith.constant 12 : i32
      %mul3A_231 = vector.broadcast %mul3A_230 : i32 to vector<16xi32>
      %mul3A_232 = arith.muli %get3A_229, %mul3A_231 : vector<16xi32>
      %get3A_233 = arith.index_cast %add3A_226 : i32 to index
      %get3A_234 = tpu.vector_load %arg7[%get3A_233] {strides = array<i32>} : memref<10000xi32, #tpu.memory_space<vmem>>, vector<16xi32>,
      %get3A_235 = vector.shape_cast %get3A_234 : vector<16xi32> to vector<16xi32>
      %mul3A_236 = arith.constant 2 : i32
      %mul3A_237 = vector.broadcast %mul3A_236 : i32 to vector<16xi32>
      %mul3A_238 = arith.muli %get3A_235, %mul3A_237 : vector<16xi32>
      %add3A_239 = arith.addi %mul3A_232, %mul3A_238 : vector<16xi32>
      %get3A_240 = arith.index_cast %add3A_226 : i32 to index
      %get3A_241 = tpu.vector_load %arg8[%get3A_240] {strides = array<i32>} : memref<10000xi32, #tpu.memory_space<vmem>>, vector<16xi32>,
      %get3A_242 = vector.shape_cast %get3A_241 : vector<16xi32> to vector<16xi32>
      %add3A_243 = arith.addi %add3A_239, %get3A_242 : vector<16xi32>
      %swap3A_244 = arith.index_cast %add3A_226 : i32 to index
      %swap3A_245 = tpu.vector_load %arg9[%swap3A_244] {strides = array<i32>} : memref<10000xi32, #tpu.memory_space<vmem>>, vector<16xi32>,
      %swap3A_246 = vector.shape_cast %swap3A_245 : vector<16xi32> to vector<16xi32>
      %swap3A_247 = vector.shape_cast %add3A_243 : vector<16xi32> to vector<16xi32>
      tpu.vector_store %arg9[%swap3A_244], %swap3A_247 {strides = array<i32>} : memref<10000xi32, #tpu.memory_space<vmem>>, vector<16xi32>,
      %add3A_248 = arith.constant 144 : i32
      %add3A_249 = arith.addi %mul3A_42, %add3A_248 : i32
      %get3A_250 = arith.index_cast %add3A_249 : i32 to index
      %get3A_251 = tpu.vector_load %arg6[%get3A_250] {strides = array<i32>} : memref<10000xi32, #tpu.memory_space<vmem>>, vector<16xi32>,
      %get3A_252 = vector.shape_cast %get3A_251 : vector<16xi32> to vector<16xi32>
      %mul3A_253 = arith.constant 12 : i32
      %mul3A_254 = vector.broadcast %mul3A_253 : i32 to vector<16xi32>
      %mul3A_255 = arith.muli %get3A_252, %mul3A_254 : vector<16xi32>
      %get3A_256 = arith.index_cast %add3A_249 : i32 to index
      %get3A_257 = tpu.vector_load %arg7[%get3A_256] {strides = array<i32>} : memref<10000xi32, #tpu.memory_space<vmem>>, vector<16xi32>,
      %get3A_258 = vector.shape_cast %get3A_257 : vector<16xi32> to vector<16xi32>
      %mul3A_259 = arith.constant 2 : i32
      %mul3A_260 = vector.broadcast %mul3A_259 : i32 to vector<16xi32>
      %mul3A_261 = arith.muli %get3A_258, %mul3A_260 : vector<16xi32>
      %add3A_262 = arith.addi %mul3A_255, %mul3A_261 : vector<16xi32>
      %get3A_263 = arith.index_cast %add3A_249 : i32 to index
      %get3A_264 = tpu.vector_load %arg8[%get3A_263] {strides = array<i32>} : memref<10000xi32, #tpu.memory_space<vmem>>, vector<16xi32>,
      %get3A_265 = vector.shape_cast %get3A_264 : vector<16xi32> to vector<16xi32>
      %add3A_266 = arith.addi %add3A_262, %get3A_265 : vector<16xi32>
      %swap3A_267 = arith.index_cast %add3A_249 : i32 to index
      %swap3A_268 = tpu.vector_load %arg9[%swap3A_267] {strides = array<i32>} : memref<10000xi32, #tpu.memory_space<vmem>>, vector<16xi32>,
      %swap3A_269 = vector.shape_cast %swap3A_268 : vector<16xi32> to vector<16xi32>
      %swap3A_270 = vector.shape_cast %add3A_266 : vector<16xi32> to vector<16xi32>
      tpu.vector_store %arg9[%swap3A_267], %swap3A_270 {strides = array<i32>} : memref<10000xi32, #tpu.memory_space<vmem>>, vector<16xi32>,
      %add3A_271 = arith.constant 160 : i32
      %add3A_272 = arith.addi %mul3A_42, %add3A_271 : i32
      %get3A_273 = arith.index_cast %add3A_272 : i32 to index
      %get3A_274 = tpu.vector_load %arg6[%get3A_273] {strides = array<i32>} : memref<10000xi32, #tpu.memory_space<vmem>>, vector<16xi32>,
      %get3A_275 = vector.shape_cast %get3A_274 : vector<16xi32> to vector<16xi32>
      %mul3A_276 = arith.constant 12 : i32
      %mul3A_277 = vector.broadcast %mul3A_276 : i32 to vector<16xi32>
      %mul3A_278 = arith.muli %get3A_275, %mul3A_277 : vector<16xi32>
      %get3A_279 = arith.index_cast %add3A_272 : i32 to index
      %get3A_280 = tpu.vector_load %arg7[%get3A_279] {strides = array<i32>} : memref<10000xi32, #tpu.memory_space<vmem>>, vector<16xi32>,
      %get3A_281 = vector.shape_cast %get3A_280 : vector<16xi32> to vector<16xi32>
      %mul3A_282 = arith.constant 2 : i32
      %mul3A_283 = vector.broadcast %mul3A_282 : i32 to vector<16xi32>
      %mul3A_284 = arith.muli %get3A_281, %mul3A_283 : vector<16xi32>
      %add3A_285 = arith.addi %mul3A_278, %mul3A_284 : vector<16xi32>
      %get3A_286 = arith.index_cast %add3A_272 : i32 to index
      %get3A_287 = tpu.vector_load %arg8[%get3A_286] {strides = array<i32>} : memref<10000xi32, #tpu.memory_space<vmem>>, vector<16xi32>,
      %get3A_288 = vector.shape_cast %get3A_287 : vector<16xi32> to vector<16xi32>
      %add3A_289 = arith.addi %add3A_285, %get3A_288 : vector<16xi32>
      %swap3A_290 = arith.index_cast %add3A_272 : i32 to index
      %swap3A_291 = tpu.vector_load %arg9[%swap3A_290] {strides = array<i32>} : memref<10000xi32, #tpu.memory_space<vmem>>, vector<16xi32>,
      %swap3A_292 = vector.shape_cast %swap3A_291 : vector<16xi32> to vector<16xi32>
      %swap3A_293 = vector.shape_cast %add3A_289 : vector<16xi32> to vector<16xi32>
      tpu.vector_store %arg9[%swap3A_290], %swap3A_293 {strides = array<i32>} : memref<10000xi32, #tpu.memory_space<vmem>>, vector<16xi32>,
      %add3A_294 = arith.constant 176 : i32
      %add3A_295 = arith.addi %mul3A_42, %add3A_294 : i32
      %get3A_296 = arith.index_cast %add3A_295 : i32 to index
      %get3A_297 = tpu.vector_load %arg6[%get3A_296] {strides = array<i32>} : memref<10000xi32, #tpu.memory_space<vmem>>, vector<16xi32>,
      %get3A_298 = vector.shape_cast %get3A_297 : vector<16xi32> to vector<16xi32>
      %mul3A_299 = arith.constant 12 : i32
      %mul3A_300 = vector.broadcast %mul3A_299 : i32 to vector<16xi32>
      %mul3A_301 = arith.muli %get3A_298, %mul3A_300 : vector<16xi32>
      %get3A_302 = arith.index_cast %add3A_295 : i32 to index
      %get3A_303 = tpu.vector_load %arg7[%get3A_302] {strides = array<i32>} : memref<10000xi32, #tpu.memory_space<vmem>>, vector<16xi32>,
      %get3A_304 = vector.shape_cast %get3A_303 : vector<16xi32> to vector<16xi32>
      %mul3A_305 = arith.constant 2 : i32
      %mul3A_306 = vector.broadcast %mul3A_305 : i32 to vector<16xi32>
      %mul3A_307 = arith.muli %get3A_304, %mul3A_306 : vector<16xi32>
      %add3A_308 = arith.addi %mul3A_301, %mul3A_307 : vector<16xi32>
      %get3A_309 = arith.index_cast %add3A_295 : i32 to index
      %get3A_310 = tpu.vector_load %arg8[%get3A_309] {strides = array<i32>} : memref<10000xi32, #tpu.memory_space<vmem>>, vector<16xi32>,
      %get3A_311 = vector.shape_cast %get3A_310 : vector<16xi32> to vector<16xi32>
      %add3A_312 = arith.addi %add3A_308, %get3A_311 : vector<16xi32>
      %swap3A_313 = arith.index_cast %add3A_295 : i32 to index
      %swap3A_314 = tpu.vector_load %arg9[%swap3A_313] {strides = array<i32>} : memref<10000xi32, #tpu.memory_space<vmem>>, vector<16xi32>,
      %swap3A_315 = vector.shape_cast %swap3A_314 : vector<16xi32> to vector<16xi32>
      %swap3A_316 = vector.shape_cast %add3A_312 : vector<16xi32> to vector<16xi32>
      tpu.vector_store %arg9[%swap3A_313], %swap3A_316 {strides = array<i32>} : memref<10000xi32, #tpu.memory_space<vmem>>, vector<16xi32>,
      %add3A_317 = arith.constant 192 : i32
      %add3A_318 = arith.addi %mul3A_42, %add3A_317 : i32
      %get3A_319 = arith.index_cast %add3A_318 : i32 to index
      %get3A_320 = tpu.vector_load %arg6[%get3A_319] {strides = array<i32>} : memref<10000xi32, #tpu.memory_space<vmem>>, vector<16xi32>,
      %get3A_321 = vector.shape_cast %get3A_320 : vector<16xi32> to vector<16xi32>
      %mul3A_322 = arith.constant 12 : i32
      %mul3A_323 = vector.broadcast %mul3A_322 : i32 to vector<16xi32>
      %mul3A_324 = arith.muli %get3A_321, %mul3A_323 : vector<16xi32>
      %get3A_325 = arith.index_cast %add3A_318 : i32 to index
      %get3A_326 = tpu.vector_load %arg7[%get3A_325] {strides = array<i32>} : memref<10000xi32, #tpu.memory_space<vmem>>, vector<16xi32>,
      %get3A_327 = vector.shape_cast %get3A_326 : vector<16xi32> to vector<16xi32>
      %mul3A_328 = arith.constant 2 : i32
      %mul3A_329 = vector.broadcast %mul3A_328 : i32 to vector<16xi32>
      %mul3A_330 = arith.muli %get3A_327, %mul3A_329 : vector<16xi32>
      %add3A_331 = arith.addi %mul3A_324, %mul3A_330 : vector<16xi32>
      %get3A_332 = arith.index_cast %add3A_318 : i32 to index
      %get3A_333 = tpu.vector_load %arg8[%get3A_332] {strides = array<i32>} : memref<10000xi32, #tpu.memory_space<vmem>>, vector<16xi32>,
      %get3A_334 = vector.shape_cast %get3A_333 : vector<16xi32> to vector<16xi32>
      %add3A_335 = arith.addi %add3A_331, %get3A_334 : vector<16xi32>
      %swap3A_336 = arith.index_cast %add3A_318 : i32 to index
      %swap3A_337 = tpu.vector_load %arg9[%swap3A_336] {strides = array<i32>} : memref<10000xi32, #tpu.memory_space<vmem>>, vector<16xi32>,
      %swap3A_338 = vector.shape_cast %swap3A_337 : vector<16xi32> to vector<16xi32>
      %swap3A_339 = vector.shape_cast %add3A_335 : vector<16xi32> to vector<16xi32>
      tpu.vector_store %arg9[%swap3A_336], %swap3A_339 {strides = array<i32>} : memref<10000xi32, #tpu.memory_space<vmem>>, vector<16xi32>,
      %add3A_340 = arith.constant 208 : i32
      %add3A_341 = arith.addi %mul3A_42, %add3A_340 : i32
      %get3A_342 = arith.index_cast %add3A_341 : i32 to index
      %get3A_343 = tpu.vector_load %arg6[%get3A_342] {strides = array<i32>} : memref<10000xi32, #tpu.memory_space<vmem>>, vector<16xi32>,
      %get3A_344 = vector.shape_cast %get3A_343 : vector<16xi32> to vector<16xi32>
      %mul3A_345 = arith.constant 12 : i32
      %mul3A_346 = vector.broadcast %mul3A_345 : i32 to vector<16xi32>
      %mul3A_347 = arith.muli %get3A_344, %mul3A_346 : vector<16xi32>
      %get3A_348 = arith.index_cast %add3A_341 : i32 to index
      %get3A_349 = tpu.vector_load %arg7[%get3A_348] {strides = array<i32>} : memref<10000xi32, #tpu.memory_space<vmem>>, vector<16xi32>,
      %get3A_350 = vector.shape_cast %get3A_349 : vector<16xi32> to vector<16xi32>
      %mul3A_351 = arith.constant 2 : i32
      %mul3A_352 = vector.broadcast %mul3A_351 : i32 to vector<16xi32>
      %mul3A_353 = arith.muli %get3A_350, %mul3A_352 : vector<16xi32>
      %add3A_354 = arith.addi %mul3A_347, %mul3A_353 : vector<16xi32>
      %get3A_355 = arith.index_cast %add3A_341 : i32 to index
      %get3A_356 = tpu.vector_load %arg8[%get3A_355] {strides = array<i32>} : memref<10000xi32, #tpu.memory_space<vmem>>, vector<16xi32>,
      %get3A_357 = vector.shape_cast %get3A_356 : vector<16xi32> to vector<16xi32>
      %add3A_358 = arith.addi %add3A_354, %get3A_357 : vector<16xi32>
      %swap3A_359 = arith.index_cast %add3A_341 : i32 to index
      %swap3A_360 = tpu.vector_load %arg9[%swap3A_359] {strides = array<i32>} : memref<10000xi32, #tpu.memory_space<vmem>>, vector<16xi32>,
      %swap3A_361 = vector.shape_cast %swap3A_360 : vector<16xi32> to vector<16xi32>
      %swap3A_362 = vector.shape_cast %add3A_358 : vector<16xi32> to vector<16xi32>
      tpu.vector_store %arg9[%swap3A_359], %swap3A_362 {strides = array<i32>} : memref<10000xi32, #tpu.memory_space<vmem>>, vector<16xi32>,
      %add3A_363 = arith.constant 224 : i32
      %add3A_364 = arith.addi %mul3A_42, %add3A_363 : i32
      %get3A_365 = arith.index_cast %add3A_364 : i32 to index
      %get3A_366 = tpu.vector_load %arg6[%get3A_365] {strides = array<i32>} : memref<10000xi32, #tpu.memory_space<vmem>>, vector<16xi32>,
      %get3A_367 = vector.shape_cast %get3A_366 : vector<16xi32> to vector<16xi32>
      %mul3A_368 = arith.constant 12 : i32
      %mul3A_369 = vector.broadcast %mul3A_368 : i32 to vector<16xi32>
      %mul3A_370 = arith.muli %get3A_367, %mul3A_369 : vector<16xi32>
      %get3A_371 = arith.index_cast %add3A_364 : i32 to index
      %get3A_372 = tpu.vector_load %arg7[%get3A_371] {strides = array<i32>} : memref<10000xi32, #tpu.memory_space<vmem>>, vector<16xi32>,
      %get3A_373 = vector.shape_cast %get3A_372 : vector<16xi32> to vector<16xi32>
      %mul3A_374 = arith.constant 2 : i32
      %mul3A_375 = vector.broadcast %mul3A_374 : i32 to vector<16xi32>
      %mul3A_376 = arith.muli %get3A_373, %mul3A_375 : vector<16xi32>
      %add3A_377 = arith.addi %mul3A_370, %mul3A_376 : vector<16xi32>
      %get3A_378 = arith.index_cast %add3A_364 : i32 to index
      %get3A_379 = tpu.vector_load %arg8[%get3A_378] {strides = array<i32>} : memref<10000xi32, #tpu.memory_space<vmem>>, vector<16xi32>,
      %get3A_380 = vector.shape_cast %get3A_379 : vector<16xi32> to vector<16xi32>
      %add3A_381 = arith.addi %add3A_377, %get3A_380 : vector<16xi32>
      %swap3A_382 = arith.index_cast %add3A_364 : i32 to index
      %swap3A_383 = tpu.vector_load %arg9[%swap3A_382] {strides = array<i32>} : memref<10000xi32, #tpu.memory_space<vmem>>, vector<16xi32>,
      %swap3A_384 = vector.shape_cast %swap3A_383 : vector<16xi32> to vector<16xi32>
      %swap3A_385 = vector.shape_cast %add3A_381 : vector<16xi32> to vector<16xi32>
      tpu.vector_store %arg9[%swap3A_382], %swap3A_385 {strides = array<i32>} : memref<10000xi32, #tpu.memory_space<vmem>>, vector<16xi32>,
      %add3A_386 = arith.constant 240 : i32
      %add3A_387 = arith.addi %mul3A_42, %add3A_386 : i32
      %get3A_388 = arith.index_cast %add3A_387 : i32 to index
      %get3A_389 = tpu.vector_load %arg6[%get3A_388] {strides = array<i32>} : memref<10000xi32, #tpu.memory_space<vmem>>, vector<16xi32>,
      %get3A_390 = vector.shape_cast %get3A_389 : vector<16xi32> to vector<16xi32>
      %mul3A_391 = arith.constant 12 : i32
      %mul3A_392 = vector.broadcast %mul3A_391 : i32 to vector<16xi32>
      %mul3A_393 = arith.muli %get3A_390, %mul3A_392 : vector<16xi32>
      %get3A_394 = arith.index_cast %add3A_387 : i32 to index
      %get3A_395 = tpu.vector_load %arg7[%get3A_394] {strides = array<i32>} : memref<10000xi32, #tpu.memory_space<vmem>>, vector<16xi32>,
      %get3A_396 = vector.shape_cast %get3A_395 : vector<16xi32> to vector<16xi32>
      %mul3A_397 = arith.constant 2 : i32
      %mul3A_398 = vector.broadcast %mul3A_397 : i32 to vector<16xi32>
      %mul3A_399 = arith.muli %get3A_396, %mul3A_398 : vector<16xi32>
      %add3A_400 = arith.addi %mul3A_393, %mul3A_399 : vector<16xi32>
      %get3A_401 = arith.index_cast %add3A_387 : i32 to index
      %get3A_402 = tpu.vector_load %arg8[%get3A_401] {strides = array<i32>} : memref<10000xi32, #tpu.memory_space<vmem>>, vector<16xi32>,
      %get3A_403 = vector.shape_cast %get3A_402 : vector<16xi32> to vector<16xi32>
      %add3A_404 = arith.addi %add3A_400, %get3A_403 : vector<16xi32>
      %swap3A_405 = arith.index_cast %add3A_387 : i32 to index
      %swap3A_406 = tpu.vector_load %arg9[%swap3A_405] {strides = array<i32>} : memref<10000xi32, #tpu.memory_space<vmem>>, vector<16xi32>,
      %swap3A_407 = vector.shape_cast %swap3A_406 : vector<16xi32> to vector<16xi32>
      %swap3A_408 = vector.shape_cast %add3A_404 : vector<16xi32> to vector<16xi32>
      tpu.vector_store %arg9[%swap3A_405], %swap3A_408 {strides = array<i32>} : memref<10000xi32, #tpu.memory_space<vmem>>, vector<16xi32>,
      %add3A_409 = arith.constant 256 : i32
      %add3A_410 = arith.addi %mul3A_42, %add3A_409 : i32
      %get3A_411 = arith.index_cast %add3A_410 : i32 to index
      %get3A_412 = tpu.vector_load %arg6[%get3A_411] {strides = array<i32>} : memref<10000xi32, #tpu.memory_space<vmem>>, vector<16xi32>,
      %get3A_413 = vector.shape_cast %get3A_412 : vector<16xi32> to vector<16xi32>
      %mul3A_414 = arith.constant 12 : i32
      %mul3A_415 = vector.broadcast %mul3A_414 : i32 to vector<16xi32>
      %mul3A_416 = arith.muli %get3A_413, %mul3A_415 : vector<16xi32>
      %get3A_417 = arith.index_cast %add3A_410 : i32 to index
      %get3A_418 = tpu.vector_load %arg7[%get3A_417] {strides = array<i32>} : memref<10000xi32, #tpu.memory_space<vmem>>, vector<16xi32>,
      %get3A_419 = vector.shape_cast %get3A_418 : vector<16xi32> to vector<16xi32>
      %mul3A_420 = arith.constant 2 : i32
      %mul3A_421 = vector.broadcast %mul3A_420 : i32 to vector<16xi32>
      %mul3A_422 = arith.muli %get3A_419, %mul3A_421 : vector<16xi32>
      %add3A_423 = arith.addi %mul3A_416, %mul3A_422 : vector<16xi32>
      %get3A_424 = arith.index_cast %add3A_410 : i32 to index
      %get3A_425 = tpu.vector_load %arg8[%get3A_424] {strides = array<i32>} : memref<10000xi32, #tpu.memory_space<vmem>>, vector<16xi32>,
      %get3A_426 = vector.shape_cast %get3A_425 : vector<16xi32> to vector<16xi32>
      %add3A_427 = arith.addi %add3A_423, %get3A_426 : vector<16xi32>
      %swap3A_428 = arith.index_cast %add3A_410 : i32 to index
      %swap3A_429 = tpu.vector_load %arg9[%swap3A_428] {strides = array<i32>} : memref<10000xi32, #tpu.memory_space<vmem>>, vector<16xi32>,
      %swap3A_430 = vector.shape_cast %swap3A_429 : vector<16xi32> to vector<16xi32>
      %swap3A_431 = vector.shape_cast %add3A_427 : vector<16xi32> to vector<16xi32>
      tpu.vector_store %arg9[%swap3A_428], %swap3A_431 {strides = array<i32>} : memref<10000xi32, #tpu.memory_space<vmem>>, vector<16xi32>,
      %add3A_432 = arith.constant 272 : i32
      %add3A_433 = arith.addi %mul3A_42, %add3A_432 : i32
      %get3A_434 = arith.index_cast %add3A_433 : i32 to index
      %get3A_435 = tpu.vector_load %arg6[%get3A_434] {strides = array<i32>} : memref<10000xi32, #tpu.memory_space<vmem>>, vector<16xi32>,
      %get3A_436 = vector.shape_cast %get3A_435 : vector<16xi32> to vector<16xi32>
      %mul3A_437 = arith.constant 12 : i32
      %mul3A_438 = vector.broadcast %mul3A_437 : i32 to vector<16xi32>
      %mul3A_439 = arith.muli %get3A_436, %mul3A_438 : vector<16xi32>
      %get3A_440 = arith.index_cast %add3A_433 : i32 to index
      %get3A_441 = tpu.vector_load %arg7[%get3A_440] {strides = array<i32>} : memref<10000xi32, #tpu.memory_space<vmem>>, vector<16xi32>,
      %get3A_442 = vector.shape_cast %get3A_441 : vector<16xi32> to vector<16xi32>
      %mul3A_443 = arith.constant 2 : i32
      %mul3A_444 = vector.broadcast %mul3A_443 : i32 to vector<16xi32>
      %mul3A_445 = arith.muli %get3A_442, %mul3A_444 : vector<16xi32>
      %add3A_446 = arith.addi %mul3A_439, %mul3A_445 : vector<16xi32>
      %get3A_447 = arith.index_cast %add3A_433 : i32 to index
      %get3A_448 = tpu.vector_load %arg8[%get3A_447] {strides = array<i32>} : memref<10000xi32, #tpu.memory_space<vmem>>, vector<16xi32>,
      %get3A_449 = vector.shape_cast %get3A_448 : vector<16xi32> to vector<16xi32>
      %add3A_450 = arith.addi %add3A_446, %get3A_449 : vector<16xi32>
      %swap3A_451 = arith.index_cast %add3A_433 : i32 to index
      %swap3A_452 = tpu.vector_load %arg9[%swap3A_451] {strides = array<i32>} : memref<10000xi32, #tpu.memory_space<vmem>>, vector<16xi32>,
      %swap3A_453 = vector.shape_cast %swap3A_452 : vector<16xi32> to vector<16xi32>
      %swap3A_454 = vector.shape_cast %add3A_450 : vector<16xi32> to vector<16xi32>
      tpu.vector_store %arg9[%swap3A_451], %swap3A_454 {strides = array<i32>} : memref<10000xi32, #tpu.memory_space<vmem>>, vector<16xi32>,
      %add3A_455 = arith.constant 288 : i32
      %add3A_456 = arith.addi %mul3A_42, %add3A_455 : i32
      %get3A_457 = arith.index_cast %add3A_456 : i32 to index
      %get3A_458 = tpu.vector_load %arg6[%get3A_457] {strides = array<i32>} : memref<10000xi32, #tpu.memory_space<vmem>>, vector<16xi32>,
      %get3A_459 = vector.shape_cast %get3A_458 : vector<16xi32> to vector<16xi32>
      %mul3A_460 = arith.constant 12 : i32
      %mul3A_461 = vector.broadcast %mul3A_460 : i32 to vector<16xi32>
      %mul3A_462 = arith.muli %get3A_459, %mul3A_461 : vector<16xi32>
      %get3A_463 = arith.index_cast %add3A_456 : i32 to index
      %get3A_464 = tpu.vector_load %arg7[%get3A_463] {strides = array<i32>} : memref<10000xi32, #tpu.memory_space<vmem>>, vector<16xi32>,
      %get3A_465 = vector.shape_cast %get3A_464 : vector<16xi32> to vector<16xi32>
      %mul3A_466 = arith.constant 2 : i32
      %mul3A_467 = vector.broadcast %mul3A_466 : i32 to vector<16xi32>
      %mul3A_468 = arith.muli %get3A_465, %mul3A_467 : vector<16xi32>
      %add3A_469 = arith.addi %mul3A_462, %mul3A_468 : vector<16xi32>
      %get3A_470 = arith.index_cast %add3A_456 : i32 to index
      %get3A_471 = tpu.vector_load %arg8[%get3A_470] {strides = array<i32>} : memref<10000xi32, #tpu.memory_space<vmem>>, vector<16xi32>,
      %get3A_472 = vector.shape_cast %get3A_471 : vector<16xi32> to vector<16xi32>
      %add3A_473 = arith.addi %add3A_469, %get3A_472 : vector<16xi32>
      %swap3A_474 = arith.index_cast %add3A_456 : i32 to index
      %swap3A_475 = tpu.vector_load %arg9[%swap3A_474] {strides = array<i32>} : memref<10000xi32, #tpu.memory_space<vmem>>, vector<16xi32>,
      %swap3A_476 = vector.shape_cast %swap3A_475 : vector<16xi32> to vector<16xi32>
      %swap3A_477 = vector.shape_cast %add3A_473 : vector<16xi32> to vector<16xi32>
      tpu.vector_store %arg9[%swap3A_474], %swap3A_477 {strides = array<i32>} : memref<10000xi32, #tpu.memory_space<vmem>>, vector<16xi32>,
      %add3A_478 = arith.constant 304 : i32
      %add3A_479 = arith.addi %mul3A_42, %add3A_478 : i32
      %get3A_480 = arith.index_cast %add3A_479 : i32 to index
      %get3A_481 = tpu.vector_load %arg6[%get3A_480] {strides = array<i32>} : memref<10000xi32, #tpu.memory_space<vmem>>, vector<16xi32>,
      %get3A_482 = vector.shape_cast %get3A_481 : vector<16xi32> to vector<16xi32>
      %mul3A_483 = arith.constant 12 : i32
      %mul3A_484 = vector.broadcast %mul3A_483 : i32 to vector<16xi32>
      %mul3A_485 = arith.muli %get3A_482, %mul3A_484 : vector<16xi32>
      %get3A_486 = arith.index_cast %add3A_479 : i32 to index
      %get3A_487 = tpu.vector_load %arg7[%get3A_486] {strides = array<i32>} : memref<10000xi32, #tpu.memory_space<vmem>>, vector<16xi32>,
      %get3A_488 = vector.shape_cast %get3A_487 : vector<16xi32> to vector<16xi32>
      %mul3A_489 = arith.constant 2 : i32
      %mul3A_490 = vector.broadcast %mul3A_489 : i32 to vector<16xi32>
      %mul3A_491 = arith.muli %get3A_488, %mul3A_490 : vector<16xi32>
      %add3A_492 = arith.addi %mul3A_485, %mul3A_491 : vector<16xi32>
      %get3A_493 = arith.index_cast %add3A_479 : i32 to index
      %get3A_494 = tpu.vector_load %arg8[%get3A_493] {strides = array<i32>} : memref<10000xi32, #tpu.memory_space<vmem>>, vector<16xi32>,
      %get3A_495 = vector.shape_cast %get3A_494 : vector<16xi32> to vector<16xi32>
      %add3A_496 = arith.addi %add3A_492, %get3A_495 : vector<16xi32>
      %swap3A_497 = arith.index_cast %add3A_479 : i32 to index
      %swap3A_498 = tpu.vector_load %arg9[%swap3A_497] {strides = array<i32>} : memref<10000xi32, #tpu.memory_space<vmem>>, vector<16xi32>,
      %swap3A_499 = vector.shape_cast %swap3A_498 : vector<16xi32> to vector<16xi32>
      %swap3A_500 = vector.shape_cast %add3A_496 : vector<16xi32> to vector<16xi32>
      tpu.vector_store %arg9[%swap3A_497], %swap3A_500 {strides = array<i32>} : memref<10000xi32, #tpu.memory_space<vmem>>, vector<16xi32>,
      %add3A_501 = arith.constant 320 : i32
      %add3A_502 = arith.addi %mul3A_42, %add3A_501 : i32
      %get3A_503 = arith.index_cast %add3A_502 : i32 to index
      %get3A_504 = tpu.vector_load %arg6[%get3A_503] {strides = array<i32>} : memref<10000xi32, #tpu.memory_space<vmem>>, vector<16xi32>,
      %get3A_505 = vector.shape_cast %get3A_504 : vector<16xi32> to vector<16xi32>
      %mul3A_506 = arith.constant 12 : i32
      %mul3A_507 = vector.broadcast %mul3A_506 : i32 to vector<16xi32>
      %mul3A_508 = arith.muli %get3A_505, %mul3A_507 : vector<16xi32>
      %get3A_509 = arith.index_cast %add3A_502 : i32 to index
      %get3A_510 = tpu.vector_load %arg7[%get3A_509] {strides = array<i32>} : memref<10000xi32, #tpu.memory_space<vmem>>, vector<16xi32>,
      %get3A_511 = vector.shape_cast %get3A_510 : vector<16xi32> to vector<16xi32>
      %mul3A_512 = arith.constant 2 : i32
      %mul3A_513 = vector.broadcast %mul3A_512 : i32 to vector<16xi32>
      %mul3A_514 = arith.muli %get3A_511, %mul3A_513 : vector<16xi32>
      %add3A_515 = arith.addi %mul3A_508, %mul3A_514 : vector<16xi32>
      %get3A_516 = arith.index_cast %add3A_502 : i32 to index
      %get3A_517 = tpu.vector_load %arg8[%get3A_516] {strides = array<i32>} : memref<10000xi32, #tpu.memory_space<vmem>>, vector<16xi32>,
      %get3A_518 = vector.shape_cast %get3A_517 : vector<16xi32> to vector<16xi32>
      %add3A_519 = arith.addi %add3A_515, %get3A_518 : vector<16xi32>
      %swap3A_520 = arith.index_cast %add3A_502 : i32 to index
      %swap3A_521 = tpu.vector_load %arg9[%swap3A_520] {strides = array<i32>} : memref<10000xi32, #tpu.memory_space<vmem>>, vector<16xi32>,
      %swap3A_522 = vector.shape_cast %swap3A_521 : vector<16xi32> to vector<16xi32>
      %swap3A_523 = vector.shape_cast %add3A_519 : vector<16xi32> to vector<16xi32>
      tpu.vector_store %arg9[%swap3A_520], %swap3A_523 {strides = array<i32>} : memref<10000xi32, #tpu.memory_space<vmem>>, vector<16xi32>,
      %add3A_524 = arith.constant 336 : i32
      %add3A_525 = arith.addi %mul3A_42, %add3A_524 : i32
      %get3A_526 = arith.index_cast %add3A_525 : i32 to index
      %get3A_527 = tpu.vector_load %arg6[%get3A_526] {strides = array<i32>} : memref<10000xi32, #tpu.memory_space<vmem>>, vector<16xi32>,
      %get3A_528 = vector.shape_cast %get3A_527 : vector<16xi32> to vector<16xi32>
      %mul3A_529 = arith.constant 12 : i32
      %mul3A_530 = vector.broadcast %mul3A_529 : i32 to vector<16xi32>
      %mul3A_531 = arith.muli %get3A_528, %mul3A_530 : vector<16xi32>
      %get3A_532 = arith.index_cast %add3A_525 : i32 to index
      %get3A_533 = tpu.vector_load %arg7[%get3A_532] {strides = array<i32>} : memref<10000xi32, #tpu.memory_space<vmem>>, vector<16xi32>,
      %get3A_534 = vector.shape_cast %get3A_533 : vector<16xi32> to vector<16xi32>
      %mul3A_535 = arith.constant 2 : i32
      %mul3A_536 = vector.broadcast %mul3A_535 : i32 to vector<16xi32>
      %mul3A_537 = arith.muli %get3A_534, %mul3A_536 : vector<16xi32>
      %add3A_538 = arith.addi %mul3A_531, %mul3A_537 : vector<16xi32>
      %get3A_539 = arith.index_cast %add3A_525 : i32 to index
      %get3A_540 = tpu.vector_load %arg8[%get3A_539] {strides = array<i32>} : memref<10000xi32, #tpu.memory_space<vmem>>, vector<16xi32>,
      %get3A_541 = vector.shape_cast %get3A_540 : vector<16xi32> to vector<16xi32>
      %add3A_542 = arith.addi %add3A_538, %get3A_541 : vector<16xi32>
      %swap3A_543 = arith.index_cast %add3A_525 : i32 to index
      %swap3A_544 = tpu.vector_load %arg9[%swap3A_543] {strides = array<i32>} : memref<10000xi32, #tpu.memory_space<vmem>>, vector<16xi32>,
      %swap3A_545 = vector.shape_cast %swap3A_544 : vector<16xi32> to vector<16xi32>
      %swap3A_546 = vector.shape_cast %add3A_542 : vector<16xi32> to vector<16xi32>
      tpu.vector_store %arg9[%swap3A_543], %swap3A_546 {strides = array<i32>} : memref<10000xi32, #tpu.memory_space<vmem>>, vector<16xi32>,
      %add3A_547 = arith.constant 352 : i32
      %add3A_548 = arith.addi %mul3A_42, %add3A_547 : i32
      %get3A_549 = arith.index_cast %add3A_548 : i32 to index
      %get3A_550 = tpu.vector_load %arg6[%get3A_549] {strides = array<i32>} : memref<10000xi32, #tpu.memory_space<vmem>>, vector<16xi32>,
      %get3A_551 = vector.shape_cast %get3A_550 : vector<16xi32> to vector<16xi32>
      %mul3A_552 = arith.constant 12 : i32
      %mul3A_553 = vector.broadcast %mul3A_552 : i32 to vector<16xi32>
      %mul3A_554 = arith.muli %get3A_551, %mul3A_553 : vector<16xi32>
      %get3A_555 = arith.index_cast %add3A_548 : i32 to index
      %get3A_556 = tpu.vector_load %arg7[%get3A_555] {strides = array<i32>} : memref<10000xi32, #tpu.memory_space<vmem>>, vector<16xi32>,
      %get3A_557 = vector.shape_cast %get3A_556 : vector<16xi32> to vector<16xi32>
      %mul3A_558 = arith.constant 2 : i32
      %mul3A_559 = vector.broadcast %mul3A_558 : i32 to vector<16xi32>
      %mul3A_560 = arith.muli %get3A_557, %mul3A_559 : vector<16xi32>
      %add3A_561 = arith.addi %mul3A_554, %mul3A_560 : vector<16xi32>
      %get3A_562 = arith.index_cast %add3A_548 : i32 to index
      %get3A_563 = tpu.vector_load %arg8[%get3A_562] {strides = array<i32>} : memref<10000xi32, #tpu.memory_space<vmem>>, vector<16xi32>,
      %get3A_564 = vector.shape_cast %get3A_563 : vector<16xi32> to vector<16xi32>
      %add3A_565 = arith.addi %add3A_561, %get3A_564 : vector<16xi32>
      %swap3A_566 = arith.index_cast %add3A_548 : i32 to index
      %swap3A_567 = tpu.vector_load %arg9[%swap3A_566] {strides = array<i32>} : memref<10000xi32, #tpu.memory_space<vmem>>, vector<16xi32>,
      %swap3A_568 = vector.shape_cast %swap3A_567 : vector<16xi32> to vector<16xi32>
      %swap3A_569 = vector.shape_cast %add3A_565 : vector<16xi32> to vector<16xi32>
      tpu.vector_store %arg9[%swap3A_566], %swap3A_569 {strides = array<i32>} : memref<10000xi32, #tpu.memory_space<vmem>>, vector<16xi32>,
      %add3A_570 = arith.constant 368 : i32
      %add3A_571 = arith.addi %mul3A_42, %add3A_570 : i32
      %get3A_572 = arith.index_cast %add3A_571 : i32 to index
      %get3A_573 = tpu.vector_load %arg6[%get3A_572] {strides = array<i32>} : memref<10000xi32, #tpu.memory_space<vmem>>, vector<16xi32>,
      %get3A_574 = vector.shape_cast %get3A_573 : vector<16xi32> to vector<16xi32>
      %mul3A_575 = arith.constant 12 : i32
      %mul3A_576 = vector.broadcast %mul3A_575 : i32 to vector<16xi32>
      %mul3A_577 = arith.muli %get3A_574, %mul3A_576 : vector<16xi32>
      %get3A_578 = arith.index_cast %add3A_571 : i32 to index
      %get3A_579 = tpu.vector_load %arg7[%get3A_578] {strides = array<i32>} : memref<10000xi32, #tpu.memory_space<vmem>>, vector<16xi32>,
      %get3A_580 = vector.shape_cast %get3A_579 : vector<16xi32> to vector<16xi32>
      %mul3A_581 = arith.constant 2 : i32
      %mul3A_582 = vector.broadcast %mul3A_581 : i32 to vector<16xi32>
      %mul3A_583 = arith.muli %get3A_580, %mul3A_582 : vector<16xi32>
      %add3A_584 = arith.addi %mul3A_577, %mul3A_583 : vector<16xi32>
      %get3A_585 = arith.index_cast %add3A_571 : i32 to index
      %get3A_586 = tpu.vector_load %arg8[%get3A_585] {strides = array<i32>} : memref<10000xi32, #tpu.memory_space<vmem>>, vector<16xi32>,
      %get3A_587 = vector.shape_cast %get3A_586 : vector<16xi32> to vector<16xi32>
      %add3A_588 = arith.addi %add3A_584, %get3A_587 : vector<16xi32>
      %swap3A_589 = arith.index_cast %add3A_571 : i32 to index
      %swap3A_590 = tpu.vector_load %arg9[%swap3A_589] {strides = array<i32>} : memref<10000xi32, #tpu.memory_space<vmem>>, vector<16xi32>,
      %swap3A_591 = vector.shape_cast %swap3A_590 : vector<16xi32> to vector<16xi32>
      %swap3A_592 = vector.shape_cast %add3A_588 : vector<16xi32> to vector<16xi32>
      tpu.vector_store %arg9[%swap3A_589], %swap3A_592 {strides = array<i32>} : memref<10000xi32, #tpu.memory_space<vmem>>, vector<16xi32>,
      %add3A_593 = arith.constant 384 : i32
      %add3A_594 = arith.addi %mul3A_42, %add3A_593 : i32
      %get3A_595 = arith.index_cast %add3A_594 : i32 to index
      %get3A_596 = tpu.vector_load %arg6[%get3A_595] {strides = array<i32>} : memref<10000xi32, #tpu.memory_space<vmem>>, vector<16xi32>,
      %get3A_597 = vector.shape_cast %get3A_596 : vector<16xi32> to vector<16xi32>
      %mul3A_598 = arith.constant 12 : i32
      %mul3A_599 = vector.broadcast %mul3A_598 : i32 to vector<16xi32>
      %mul3A_600 = arith.muli %get3A_597, %mul3A_599 : vector<16xi32>
      %get3A_601 = arith.index_cast %add3A_594 : i32 to index
      %get3A_602 = tpu.vector_load %arg7[%get3A_601] {strides = array<i32>} : memref<10000xi32, #tpu.memory_space<vmem>>, vector<16xi32>,
      %get3A_603 = vector.shape_cast %get3A_602 : vector<16xi32> to vector<16xi32>
      %mul3A_604 = arith.constant 2 : i32
      %mul3A_605 = vector.broadcast %mul3A_604 : i32 to vector<16xi32>
      %mul3A_606 = arith.muli %get3A_603, %mul3A_605 : vector<16xi32>
      %add3A_607 = arith.addi %mul3A_600, %mul3A_606 : vector<16xi32>
      %get3A_608 = arith.index_cast %add3A_594 : i32 to index
      %get3A_609 = tpu.vector_load %arg8[%get3A_608] {strides = array<i32>} : memref<10000xi32, #tpu.memory_space<vmem>>, vector<16xi32>,
      %get3A_610 = vector.shape_cast %get3A_609 : vector<16xi32> to vector<16xi32>
      %add3A_611 = arith.addi %add3A_607, %get3A_610 : vector<16xi32>
      %swap3A_612 = arith.index_cast %add3A_594 : i32 to index
      %swap3A_613 = tpu.vector_load %arg9[%swap3A_612] {strides = array<i32>} : memref<10000xi32, #tpu.memory_space<vmem>>, vector<16xi32>,
      %swap3A_614 = vector.shape_cast %swap3A_613 : vector<16xi32> to vector<16xi32>
      %swap3A_615 = vector.shape_cast %add3A_611 : vector<16xi32> to vector<16xi32>
      tpu.vector_store %arg9[%swap3A_612], %swap3A_615 {strides = array<i32>} : memref<10000xi32, #tpu.memory_space<vmem>>, vector<16xi32>,
      %mul3A_616 = arith.constant 2 : i32
      %mul3A_617 = arith.muli %mul3A_616, %scan3A_38 : i32
      %add3A_618 = arith.constant 0 : i32
      %add3A_619 = arith.addi %mul3A_617, %add3A_618 : i32
      %mul3A_620 = arith.constant 200 : i32
      %mul3A_621 = arith.muli %add3A_619, %mul3A_620 : i32
      %ge3A = arith.constant 1 : i32
      %ge3A_622 = arith.cmpi sge, %scan3A_38, %ge3A : i32
      %convert_element_type3A_623 = arith.extui %ge3A_622 : i1 to i32
      %cond3A_624 = arith.constant 0 : i32
      %cond3A_625 = arith.cmpi ne, %convert_element_type3A_623, %cond3A_624 : i32
      scf.if %cond3A_625 {
        %add3A_807 = arith.addi %mul3A_2, %mul3A_621 : i32
        %dma_wait3A_808 = arith.constant 0 : i32
        %dma_wait3A_809 = tpu.memref_slice %arg4[%add3A_807, %dma_wait3A_808] : memref<320000x128xf32, #tpu.memory_space<hbm>> -> memref<200x128xf32, #tpu.memory_space<hbm>>
        %dma_wait3A_810 = arith.constant 0 : i32
        %dma_wait3A_811 = tpu.memref_slice %arg4[%add3A_807, %dma_wait3A_810] : memref<320000x128xf32, #tpu.memory_space<hbm>> -> memref<200x128xf32, #tpu.memory_space<hbm>>
        tpu.wait_dma2 semaphore(%arg13 : memref<!tpu.dma_semaphore, #tpu.memory_space<semaphore_mem>>) src(%arg10 : memref<200x128xf32, #tpu.memory_space<vmem>>) dst(%dma_wait3A_811 : memref<200x128xf32, #tpu.memory_space<hbm>>)
      } else {
      }
      %add3A_626 = arith.constant 0 : i32
      %add3A_627 = arith.addi %mul3A_621, %add3A_626 : i32
      %dma_start3A_628 = arith.constant 0 : i32
      %dma_start3A_629 = arith.constant 0 : i32
      %dma_start3A_630 = tpu.memref_slice %arg10[%dma_start3A_628, %dma_start3A_629] : memref<200x128xf32, #tpu.memory_space<vmem>> -> memref<40x128xf32, #tpu.memory_space<vmem>>
      %dma_start3A_631 = tpu.memref_slice %arg9[%add3A_627] : memref<10000xi32, #tpu.memory_space<vmem>> -> memref<40xi32, #tpu.memory_space<vmem>>
      %dma_start3A_632 = arith.constant 0 : i32
      %dma_start3A_633 = arith.constant 0 : i32
      %dma_start3A_634 = tpu.memref_slice %arg5[%dma_start3A_632, %dma_start3A_633] : memref<64x128xf32, #tpu.memory_space<vmem_shared>> -> memref<64x128xf32, #tpu.memory_space<vmem_shared>>
      tpu.enqueue_indirect_dma source(%dma_start3A_634 : memref<64x128xf32, #tpu.memory_space<vmem_shared>>) target(%dma_start3A_630 : memref<40x128xf32, #tpu.memory_space<vmem>>) offsets(%dma_start3A_631 : memref<40xi32, #tpu.memory_space<vmem>>) semaphore(%arg12 : memref<!tpu.dma_semaphore, #tpu.memory_space<semaphore_mem>>)
      %add3A_635 = arith.constant 40 : i32
      %add3A_636 = arith.addi %mul3A_621, %add3A_635 : i32
      %dma_start3A_637 = arith.constant 40 : i32
      %dma_start3A_638 = arith.constant 0 : i32
      %dma_start3A_639 = tpu.memref_slice %arg10[%dma_start3A_637, %dma_start3A_638] : memref<200x128xf32, #tpu.memory_space<vmem>> -> memref<40x128xf32, #tpu.memory_space<vmem>>
      %dma_start3A_640 = tpu.memref_slice %arg9[%add3A_636] : memref<10000xi32, #tpu.memory_space<vmem>> -> memref<40xi32, #tpu.memory_space<vmem>>
      %dma_start3A_641 = arith.constant 0 : i32
      %dma_start3A_642 = arith.constant 0 : i32
      %dma_start3A_643 = tpu.memref_slice %arg5[%dma_start3A_641, %dma_start3A_642] : memref<64x128xf32, #tpu.memory_space<vmem_shared>> -> memref<64x128xf32, #tpu.memory_space<vmem_shared>>
      tpu.enqueue_indirect_dma source(%dma_start3A_643 : memref<64x128xf32, #tpu.memory_space<vmem_shared>>) target(%dma_start3A_639 : memref<40x128xf32, #tpu.memory_space<vmem>>) offsets(%dma_start3A_640 : memref<40xi32, #tpu.memory_space<vmem>>) semaphore(%arg12 : memref<!tpu.dma_semaphore, #tpu.memory_space<semaphore_mem>>)
      %add3A_644 = arith.constant 80 : i32
      %add3A_645 = arith.addi %mul3A_621, %add3A_644 : i32
      %dma_start3A_646 = arith.constant 80 : i32
      %dma_start3A_647 = arith.constant 0 : i32
      %dma_start3A_648 = tpu.memref_slice %arg10[%dma_start3A_646, %dma_start3A_647] : memref<200x128xf32, #tpu.memory_space<vmem>> -> memref<40x128xf32, #tpu.memory_space<vmem>>
      %dma_start3A_649 = tpu.memref_slice %arg9[%add3A_645] : memref<10000xi32, #tpu.memory_space<vmem>> -> memref<40xi32, #tpu.memory_space<vmem>>
      %dma_start3A_650 = arith.constant 0 : i32
      %dma_start3A_651 = arith.constant 0 : i32
      %dma_start3A_652 = tpu.memref_slice %arg5[%dma_start3A_650, %dma_start3A_651] : memref<64x128xf32, #tpu.memory_space<vmem_shared>> -> memref<64x128xf32, #tpu.memory_space<vmem_shared>>
      tpu.enqueue_indirect_dma source(%dma_start3A_652 : memref<64x128xf32, #tpu.memory_space<vmem_shared>>) target(%dma_start3A_648 : memref<40x128xf32, #tpu.memory_space<vmem>>) offsets(%dma_start3A_649 : memref<40xi32, #tpu.memory_space<vmem>>) semaphore(%arg12 : memref<!tpu.dma_semaphore, #tpu.memory_space<semaphore_mem>>)
      %add3A_653 = arith.constant 120 : i32
      %add3A_654 = arith.addi %mul3A_621, %add3A_653 : i32
      %dma_start3A_655 = arith.constant 120 : i32
      %dma_start3A_656 = arith.constant 0 : i32
      %dma_start3A_657 = tpu.memref_slice %arg10[%dma_start3A_655, %dma_start3A_656] : memref<200x128xf32, #tpu.memory_space<vmem>> -> memref<40x128xf32, #tpu.memory_space<vmem>>
      %dma_start3A_658 = tpu.memref_slice %arg9[%add3A_654] : memref<10000xi32, #tpu.memory_space<vmem>> -> memref<40xi32, #tpu.memory_space<vmem>>
      %dma_start3A_659 = arith.constant 0 : i32
      %dma_start3A_660 = arith.constant 0 : i32
      %dma_start3A_661 = tpu.memref_slice %arg5[%dma_start3A_659, %dma_start3A_660] : memref<64x128xf32, #tpu.memory_space<vmem_shared>> -> memref<64x128xf32, #tpu.memory_space<vmem_shared>>
      tpu.enqueue_indirect_dma source(%dma_start3A_661 : memref<64x128xf32, #tpu.memory_space<vmem_shared>>) target(%dma_start3A_657 : memref<40x128xf32, #tpu.memory_space<vmem>>) offsets(%dma_start3A_658 : memref<40xi32, #tpu.memory_space<vmem>>) semaphore(%arg12 : memref<!tpu.dma_semaphore, #tpu.memory_space<semaphore_mem>>)
      %add3A_662 = arith.constant 160 : i32
      %add3A_663 = arith.addi %mul3A_621, %add3A_662 : i32
      %dma_start3A_664 = arith.constant 160 : i32
      %dma_start3A_665 = arith.constant 0 : i32
      %dma_start3A_666 = tpu.memref_slice %arg10[%dma_start3A_664, %dma_start3A_665] : memref<200x128xf32, #tpu.memory_space<vmem>> -> memref<40x128xf32, #tpu.memory_space<vmem>>
      %dma_start3A_667 = tpu.memref_slice %arg9[%add3A_663] : memref<10000xi32, #tpu.memory_space<vmem>> -> memref<40xi32, #tpu.memory_space<vmem>>
      %dma_start3A_668 = arith.constant 0 : i32
      %dma_start3A_669 = arith.constant 0 : i32
      %dma_start3A_670 = tpu.memref_slice %arg5[%dma_start3A_668, %dma_start3A_669] : memref<64x128xf32, #tpu.memory_space<vmem_shared>> -> memref<64x128xf32, #tpu.memory_space<vmem_shared>>
      tpu.enqueue_indirect_dma source(%dma_start3A_670 : memref<64x128xf32, #tpu.memory_space<vmem_shared>>) target(%dma_start3A_666 : memref<40x128xf32, #tpu.memory_space<vmem>>) offsets(%dma_start3A_667 : memref<40xi32, #tpu.memory_space<vmem>>) semaphore(%arg12 : memref<!tpu.dma_semaphore, #tpu.memory_space<semaphore_mem>>)
      %dma_wait3A_671 = arith.constant 0 : i32
      %dma_wait3A_672 = arith.constant 0 : i32
      %dma_wait3A_673 = tpu.memref_slice %arg10[%dma_wait3A_671, %dma_wait3A_672] : memref<200x128xf32, #tpu.memory_space<vmem>> -> memref<40x128xf32, #tpu.memory_space<vmem>>
      %dma_wait3A_674 = tpu.memref_slice %arg9[%add3A_627] : memref<10000xi32, #tpu.memory_space<vmem>> -> memref<40xi32, #tpu.memory_space<vmem>>
      %dma_wait3A_675 = arith.constant 0 : i32
      %dma_wait3A_676 = arith.constant 0 : i32
      %dma_wait3A_677 = tpu.memref_slice %arg5[%dma_wait3A_675, %dma_wait3A_676] : memref<64x128xf32, #tpu.memory_space<vmem_shared>> -> memref<64x128xf32, #tpu.memory_space<vmem_shared>>
      tpu.wait_indirect_dma semaphore(%arg12 : memref<!tpu.dma_semaphore, #tpu.memory_space<semaphore_mem>>) src(%dma_wait3A_677 : memref<64x128xf32, #tpu.memory_space<vmem_shared>>) dst(%dma_wait3A_673 : memref<40x128xf32, #tpu.memory_space<vmem>>)
      %dma_wait3A_678 = arith.constant 40 : i32
      %dma_wait3A_679 = arith.constant 0 : i32
      %dma_wait3A_680 = tpu.memref_slice %arg10[%dma_wait3A_678, %dma_wait3A_679] : memref<200x128xf32, #tpu.memory_space<vmem>> -> memref<40x128xf32, #tpu.memory_space<vmem>>
      %dma_wait3A_681 = tpu.memref_slice %arg9[%add3A_636] : memref<10000xi32, #tpu.memory_space<vmem>> -> memref<40xi32, #tpu.memory_space<vmem>>
      %dma_wait3A_682 = arith.constant 0 : i32
      %dma_wait3A_683 = arith.constant 0 : i32
      %dma_wait3A_684 = tpu.memref_slice %arg5[%dma_wait3A_682, %dma_wait3A_683] : memref<64x128xf32, #tpu.memory_space<vmem_shared>> -> memref<64x128xf32, #tpu.memory_space<vmem_shared>>
      tpu.wait_indirect_dma semaphore(%arg12 : memref<!tpu.dma_semaphore, #tpu.memory_space<semaphore_mem>>) src(%dma_wait3A_684 : memref<64x128xf32, #tpu.memory_space<vmem_shared>>) dst(%dma_wait3A_680 : memref<40x128xf32, #tpu.memory_space<vmem>>)
      %dma_wait3A_685 = arith.constant 80 : i32
      %dma_wait3A_686 = arith.constant 0 : i32
      %dma_wait3A_687 = tpu.memref_slice %arg10[%dma_wait3A_685, %dma_wait3A_686] : memref<200x128xf32, #tpu.memory_space<vmem>> -> memref<40x128xf32, #tpu.memory_space<vmem>>
      %dma_wait3A_688 = tpu.memref_slice %arg9[%add3A_645] : memref<10000xi32, #tpu.memory_space<vmem>> -> memref<40xi32, #tpu.memory_space<vmem>>
      %dma_wait3A_689 = arith.constant 0 : i32
      %dma_wait3A_690 = arith.constant 0 : i32
      %dma_wait3A_691 = tpu.memref_slice %arg5[%dma_wait3A_689, %dma_wait3A_690] : memref<64x128xf32, #tpu.memory_space<vmem_shared>> -> memref<64x128xf32, #tpu.memory_space<vmem_shared>>
      tpu.wait_indirect_dma semaphore(%arg12 : memref<!tpu.dma_semaphore, #tpu.memory_space<semaphore_mem>>) src(%dma_wait3A_691 : memref<64x128xf32, #tpu.memory_space<vmem_shared>>) dst(%dma_wait3A_687 : memref<40x128xf32, #tpu.memory_space<vmem>>)
      %dma_wait3A_692 = arith.constant 120 : i32
      %dma_wait3A_693 = arith.constant 0 : i32
      %dma_wait3A_694 = tpu.memref_slice %arg10[%dma_wait3A_692, %dma_wait3A_693] : memref<200x128xf32, #tpu.memory_space<vmem>> -> memref<40x128xf32, #tpu.memory_space<vmem>>
      %dma_wait3A_695 = tpu.memref_slice %arg9[%add3A_654] : memref<10000xi32, #tpu.memory_space<vmem>> -> memref<40xi32, #tpu.memory_space<vmem>>
      %dma_wait3A_696 = arith.constant 0 : i32
      %dma_wait3A_697 = arith.constant 0 : i32
      %dma_wait3A_698 = tpu.memref_slice %arg5[%dma_wait3A_696, %dma_wait3A_697] : memref<64x128xf32, #tpu.memory_space<vmem_shared>> -> memref<64x128xf32, #tpu.memory_space<vmem_shared>>
      tpu.wait_indirect_dma semaphore(%arg12 : memref<!tpu.dma_semaphore, #tpu.memory_space<semaphore_mem>>) src(%dma_wait3A_698 : memref<64x128xf32, #tpu.memory_space<vmem_shared>>) dst(%dma_wait3A_694 : memref<40x128xf32, #tpu.memory_space<vmem>>)
      %dma_wait3A_699 = arith.constant 160 : i32
      %dma_wait3A_700 = arith.constant 0 : i32
      %dma_wait3A_701 = tpu.memref_slice %arg10[%dma_wait3A_699, %dma_wait3A_700] : memref<200x128xf32, #tpu.memory_space<vmem>> -> memref<40x128xf32, #tpu.memory_space<vmem>>
      %dma_wait3A_702 = tpu.memref_slice %arg9[%add3A_663] : memref<10000xi32, #tpu.memory_space<vmem>> -> memref<40xi32, #tpu.memory_space<vmem>>
      %dma_wait3A_703 = arith.constant 0 : i32
      %dma_wait3A_704 = arith.constant 0 : i32
      %dma_wait3A_705 = tpu.memref_slice %arg5[%dma_wait3A_703, %dma_wait3A_704] : memref<64x128xf32, #tpu.memory_space<vmem_shared>> -> memref<64x128xf32, #tpu.memory_space<vmem_shared>>
      tpu.wait_indirect_dma semaphore(%arg12 : memref<!tpu.dma_semaphore, #tpu.memory_space<semaphore_mem>>) src(%dma_wait3A_705 : memref<64x128xf32, #tpu.memory_space<vmem_shared>>) dst(%dma_wait3A_701 : memref<40x128xf32, #tpu.memory_space<vmem>>)
      %add3A_706 = arith.addi %mul3A_2, %mul3A_621 : i32
      %dma_start3A_707 = arith.constant 0 : i32
      %dma_start3A_708 = tpu.memref_slice %arg4[%add3A_706, %dma_start3A_707] : memref<320000x128xf32, #tpu.memory_space<hbm>> -> memref<200x128xf32, #tpu.memory_space<hbm>>
      %dma_start3A_709 = arith.constant 0 : i32
      %dma_start3A_710 = tpu.memref_slice %arg4[%add3A_706, %dma_start3A_709] : memref<320000x128xf32, #tpu.memory_space<hbm>> -> memref<200x128xf32, #tpu.memory_space<hbm>>
      tpu.enqueue_dma source(%arg10 : memref<200x128xf32, #tpu.memory_space<vmem>>) target(%dma_start3A_710 : memref<200x128xf32, #tpu.memory_space<hbm>>) target_semaphore(%arg13 : memref<!tpu.dma_semaphore, #tpu.memory_space<semaphore_mem>>)
      %mul3A_711 = arith.constant 2 : i32
      %mul3A_712 = arith.muli %mul3A_711, %scan3A_38 : i32
      %add3A_713 = arith.constant 1 : i32
      %add3A_714 = arith.addi %mul3A_712, %add3A_713 : i32
      %mul3A_715 = arith.constant 200 : i32
      %mul3A_716 = arith.muli %add3A_714, %mul3A_715 : i32
      %ge3A_717 = arith.constant 1 : i32
      %ge3A_718 = arith.cmpi sge, %scan3A_38, %ge3A_717 : i32
      %convert_element_type3A_719 = arith.extui %ge3A_718 : i1 to i32
      %cond3A_720 = arith.constant 0 : i32
      %cond3A_721 = arith.cmpi ne, %convert_element_type3A_719, %cond3A_720 : i32
      scf.if %cond3A_721 {
        %add3A_807 = arith.addi %mul3A_2, %mul3A_716 : i32
        %dma_wait3A_808 = arith.constant 0 : i32
        %dma_wait3A_809 = tpu.memref_slice %arg4[%add3A_807, %dma_wait3A_808] : memref<320000x128xf32, #tpu.memory_space<hbm>> -> memref<200x128xf32, #tpu.memory_space<hbm>>
        %dma_wait3A_810 = arith.constant 0 : i32
        %dma_wait3A_811 = tpu.memref_slice %arg4[%add3A_807, %dma_wait3A_810] : memref<320000x128xf32, #tpu.memory_space<hbm>> -> memref<200x128xf32, #tpu.memory_space<hbm>>
        tpu.wait_dma2 semaphore(%arg14 : memref<!tpu.dma_semaphore, #tpu.memory_space<semaphore_mem>>) src(%arg11 : memref<200x128xf32, #tpu.memory_space<vmem>>) dst(%dma_wait3A_811 : memref<200x128xf32, #tpu.memory_space<hbm>>)
      } else {
      }
      %add3A_722 = arith.constant 0 : i32
      %add3A_723 = arith.addi %mul3A_716, %add3A_722 : i32
      %dma_start3A_724 = arith.constant 0 : i32
      %dma_start3A_725 = arith.constant 0 : i32
      %dma_start3A_726 = tpu.memref_slice %arg11[%dma_start3A_724, %dma_start3A_725] : memref<200x128xf32, #tpu.memory_space<vmem>> -> memref<40x128xf32, #tpu.memory_space<vmem>>
      %dma_start3A_727 = tpu.memref_slice %arg9[%add3A_723] : memref<10000xi32, #tpu.memory_space<vmem>> -> memref<40xi32, #tpu.memory_space<vmem>>
      %dma_start3A_728 = arith.constant 0 : i32
      %dma_start3A_729 = arith.constant 0 : i32
      %dma_start3A_730 = tpu.memref_slice %arg5[%dma_start3A_728, %dma_start3A_729] : memref<64x128xf32, #tpu.memory_space<vmem_shared>> -> memref<64x128xf32, #tpu.memory_space<vmem_shared>>
      tpu.enqueue_indirect_dma source(%dma_start3A_730 : memref<64x128xf32, #tpu.memory_space<vmem_shared>>) target(%dma_start3A_726 : memref<40x128xf32, #tpu.memory_space<vmem>>) offsets(%dma_start3A_727 : memref<40xi32, #tpu.memory_space<vmem>>) semaphore(%arg12 : memref<!tpu.dma_semaphore, #tpu.memory_space<semaphore_mem>>)
      %add3A_731 = arith.constant 40 : i32
      %add3A_732 = arith.addi %mul3A_716, %add3A_731 : i32
      %dma_start3A_733 = arith.constant 40 : i32
      %dma_start3A_734 = arith.constant 0 : i32
      %dma_start3A_735 = tpu.memref_slice %arg11[%dma_start3A_733, %dma_start3A_734] : memref<200x128xf32, #tpu.memory_space<vmem>> -> memref<40x128xf32, #tpu.memory_space<vmem>>
      %dma_start3A_736 = tpu.memref_slice %arg9[%add3A_732] : memref<10000xi32, #tpu.memory_space<vmem>> -> memref<40xi32, #tpu.memory_space<vmem>>
      %dma_start3A_737 = arith.constant 0 : i32
      %dma_start3A_738 = arith.constant 0 : i32
      %dma_start3A_739 = tpu.memref_slice %arg5[%dma_start3A_737, %dma_start3A_738] : memref<64x128xf32, #tpu.memory_space<vmem_shared>> -> memref<64x128xf32, #tpu.memory_space<vmem_shared>>
      tpu.enqueue_indirect_dma source(%dma_start3A_739 : memref<64x128xf32, #tpu.memory_space<vmem_shared>>) target(%dma_start3A_735 : memref<40x128xf32, #tpu.memory_space<vmem>>) offsets(%dma_start3A_736 : memref<40xi32, #tpu.memory_space<vmem>>) semaphore(%arg12 : memref<!tpu.dma_semaphore, #tpu.memory_space<semaphore_mem>>)
      %add3A_740 = arith.constant 80 : i32
      %add3A_741 = arith.addi %mul3A_716, %add3A_740 : i32
      %dma_start3A_742 = arith.constant 80 : i32
      %dma_start3A_743 = arith.constant 0 : i32
      %dma_start3A_744 = tpu.memref_slice %arg11[%dma_start3A_742, %dma_start3A_743] : memref<200x128xf32, #tpu.memory_space<vmem>> -> memref<40x128xf32, #tpu.memory_space<vmem>>
      %dma_start3A_745 = tpu.memref_slice %arg9[%add3A_741] : memref<10000xi32, #tpu.memory_space<vmem>> -> memref<40xi32, #tpu.memory_space<vmem>>
      %dma_start3A_746 = arith.constant 0 : i32
      %dma_start3A_747 = arith.constant 0 : i32
      %dma_start3A_748 = tpu.memref_slice %arg5[%dma_start3A_746, %dma_start3A_747] : memref<64x128xf32, #tpu.memory_space<vmem_shared>> -> memref<64x128xf32, #tpu.memory_space<vmem_shared>>
      tpu.enqueue_indirect_dma source(%dma_start3A_748 : memref<64x128xf32, #tpu.memory_space<vmem_shared>>) target(%dma_start3A_744 : memref<40x128xf32, #tpu.memory_space<vmem>>) offsets(%dma_start3A_745 : memref<40xi32, #tpu.memory_space<vmem>>) semaphore(%arg12 : memref<!tpu.dma_semaphore, #tpu.memory_space<semaphore_mem>>)
      %add3A_749 = arith.constant 120 : i32
      %add3A_750 = arith.addi %mul3A_716, %add3A_749 : i32
      %dma_start3A_751 = arith.constant 120 : i32
      %dma_start3A_752 = arith.constant 0 : i32
      %dma_start3A_753 = tpu.memref_slice %arg11[%dma_start3A_751, %dma_start3A_752] : memref<200x128xf32, #tpu.memory_space<vmem>> -> memref<40x128xf32, #tpu.memory_space<vmem>>
      %dma_start3A_754 = tpu.memref_slice %arg9[%add3A_750] : memref<10000xi32, #tpu.memory_space<vmem>> -> memref<40xi32, #tpu.memory_space<vmem>>
      %dma_start3A_755 = arith.constant 0 : i32
      %dma_start3A_756 = arith.constant 0 : i32
      %dma_start3A_757 = tpu.memref_slice %arg5[%dma_start3A_755, %dma_start3A_756] : memref<64x128xf32, #tpu.memory_space<vmem_shared>> -> memref<64x128xf32, #tpu.memory_space<vmem_shared>>
      tpu.enqueue_indirect_dma source(%dma_start3A_757 : memref<64x128xf32, #tpu.memory_space<vmem_shared>>) target(%dma_start3A_753 : memref<40x128xf32, #tpu.memory_space<vmem>>) offsets(%dma_start3A_754 : memref<40xi32, #tpu.memory_space<vmem>>) semaphore(%arg12 : memref<!tpu.dma_semaphore, #tpu.memory_space<semaphore_mem>>)
      %add3A_758 = arith.constant 160 : i32
      %add3A_759 = arith.addi %mul3A_716, %add3A_758 : i32
      %dma_start3A_760 = arith.constant 160 : i32
      %dma_start3A_761 = arith.constant 0 : i32
      %dma_start3A_762 = tpu.memref_slice %arg11[%dma_start3A_760, %dma_start3A_761] : memref<200x128xf32, #tpu.memory_space<vmem>> -> memref<40x128xf32, #tpu.memory_space<vmem>>
      %dma_start3A_763 = tpu.memref_slice %arg9[%add3A_759] : memref<10000xi32, #tpu.memory_space<vmem>> -> memref<40xi32, #tpu.memory_space<vmem>>
      %dma_start3A_764 = arith.constant 0 : i32
      %dma_start3A_765 = arith.constant 0 : i32
      %dma_start3A_766 = tpu.memref_slice %arg5[%dma_start3A_764, %dma_start3A_765] : memref<64x128xf32, #tpu.memory_space<vmem_shared>> -> memref<64x128xf32, #tpu.memory_space<vmem_shared>>
      tpu.enqueue_indirect_dma source(%dma_start3A_766 : memref<64x128xf32, #tpu.memory_space<vmem_shared>>) target(%dma_start3A_762 : memref<40x128xf32, #tpu.memory_space<vmem>>) offsets(%dma_start3A_763 : memref<40xi32, #tpu.memory_space<vmem>>) semaphore(%arg12 : memref<!tpu.dma_semaphore, #tpu.memory_space<semaphore_mem>>)
      %dma_wait3A_767 = arith.constant 0 : i32
      %dma_wait3A_768 = arith.constant 0 : i32
      %dma_wait3A_769 = tpu.memref_slice %arg11[%dma_wait3A_767, %dma_wait3A_768] : memref<200x128xf32, #tpu.memory_space<vmem>> -> memref<40x128xf32, #tpu.memory_space<vmem>>
      %dma_wait3A_770 = tpu.memref_slice %arg9[%add3A_723] : memref<10000xi32, #tpu.memory_space<vmem>> -> memref<40xi32, #tpu.memory_space<vmem>>
      %dma_wait3A_771 = arith.constant 0 : i32
      %dma_wait3A_772 = arith.constant 0 : i32
      %dma_wait3A_773 = tpu.memref_slice %arg5[%dma_wait3A_771, %dma_wait3A_772] : memref<64x128xf32, #tpu.memory_space<vmem_shared>> -> memref<64x128xf32, #tpu.memory_space<vmem_shared>>
      tpu.wait_indirect_dma semaphore(%arg12 : memref<!tpu.dma_semaphore, #tpu.memory_space<semaphore_mem>>) src(%dma_wait3A_773 : memref<64x128xf32, #tpu.memory_space<vmem_shared>>) dst(%dma_wait3A_769 : memref<40x128xf32, #tpu.memory_space<vmem>>)
      %dma_wait3A_774 = arith.constant 40 : i32
      %dma_wait3A_775 = arith.constant 0 : i32
      %dma_wait3A_776 = tpu.memref_slice %arg11[%dma_wait3A_774, %dma_wait3A_775] : memref<200x128xf32, #tpu.memory_space<vmem>> -> memref<40x128xf32, #tpu.memory_space<vmem>>
      %dma_wait3A_777 = tpu.memref_slice %arg9[%add3A_732] : memref<10000xi32, #tpu.memory_space<vmem>> -> memref<40xi32, #tpu.memory_space<vmem>>
      %dma_wait3A_778 = arith.constant 0 : i32
      %dma_wait3A_779 = arith.constant 0 : i32
      %dma_wait3A_780 = tpu.memref_slice %arg5[%dma_wait3A_778, %dma_wait3A_779] : memref<64x128xf32, #tpu.memory_space<vmem_shared>> -> memref<64x128xf32, #tpu.memory_space<vmem_shared>>
      tpu.wait_indirect_dma semaphore(%arg12 : memref<!tpu.dma_semaphore, #tpu.memory_space<semaphore_mem>>) src(%dma_wait3A_780 : memref<64x128xf32, #tpu.memory_space<vmem_shared>>) dst(%dma_wait3A_776 : memref<40x128xf32, #tpu.memory_space<vmem>>)
      %dma_wait3A_781 = arith.constant 80 : i32
      %dma_wait3A_782 = arith.constant 0 : i32
      %dma_wait3A_783 = tpu.memref_slice %arg11[%dma_wait3A_781, %dma_wait3A_782] : memref<200x128xf32, #tpu.memory_space<vmem>> -> memref<40x128xf32, #tpu.memory_space<vmem>>
      %dma_wait3A_784 = tpu.memref_slice %arg9[%add3A_741] : memref<10000xi32, #tpu.memory_space<vmem>> -> memref<40xi32, #tpu.memory_space<vmem>>
      %dma_wait3A_785 = arith.constant 0 : i32
      %dma_wait3A_786 = arith.constant 0 : i32
      %dma_wait3A_787 = tpu.memref_slice %arg5[%dma_wait3A_785, %dma_wait3A_786] : memref<64x128xf32, #tpu.memory_space<vmem_shared>> -> memref<64x128xf32, #tpu.memory_space<vmem_shared>>
      tpu.wait_indirect_dma semaphore(%arg12 : memref<!tpu.dma_semaphore, #tpu.memory_space<semaphore_mem>>) src(%dma_wait3A_787 : memref<64x128xf32, #tpu.memory_space<vmem_shared>>) dst(%dma_wait3A_783 : memref<40x128xf32, #tpu.memory_space<vmem>>)
      %dma_wait3A_788 = arith.constant 120 : i32
      %dma_wait3A_789 = arith.constant 0 : i32
      %dma_wait3A_790 = tpu.memref_slice %arg11[%dma_wait3A_788, %dma_wait3A_789] : memref<200x128xf32, #tpu.memory_space<vmem>> -> memref<40x128xf32, #tpu.memory_space<vmem>>
      %dma_wait3A_791 = tpu.memref_slice %arg9[%add3A_750] : memref<10000xi32, #tpu.memory_space<vmem>> -> memref<40xi32, #tpu.memory_space<vmem>>
      %dma_wait3A_792 = arith.constant 0 : i32
      %dma_wait3A_793 = arith.constant 0 : i32
      %dma_wait3A_794 = tpu.memref_slice %arg5[%dma_wait3A_792, %dma_wait3A_793] : memref<64x128xf32, #tpu.memory_space<vmem_shared>> -> memref<64x128xf32, #tpu.memory_space<vmem_shared>>
      tpu.wait_indirect_dma semaphore(%arg12 : memref<!tpu.dma_semaphore, #tpu.memory_space<semaphore_mem>>) src(%dma_wait3A_794 : memref<64x128xf32, #tpu.memory_space<vmem_shared>>) dst(%dma_wait3A_790 : memref<40x128xf32, #tpu.memory_space<vmem>>)
      %dma_wait3A_795 = arith.constant 160 : i32
      %dma_wait3A_796 = arith.constant 0 : i32
      %dma_wait3A_797 = tpu.memref_slice %arg11[%dma_wait3A_795, %dma_wait3A_796] : memref<200x128xf32, #tpu.memory_space<vmem>> -> memref<40x128xf32, #tpu.memory_space<vmem>>
      %dma_wait3A_798 = tpu.memref_slice %arg9[%add3A_759] : memref<10000xi32, #tpu.memory_space<vmem>> -> memref<40xi32, #tpu.memory_space<vmem>>
      %dma_wait3A_799 = arith.constant 0 : i32
      %dma_wait3A_800 = arith.constant 0 : i32
      %dma_wait3A_801 = tpu.memref_slice %arg5[%dma_wait3A_799, %dma_wait3A_800] : memref<64x128xf32, #tpu.memory_space<vmem_shared>> -> memref<64x128xf32, #tpu.memory_space<vmem_shared>>
      tpu.wait_indirect_dma semaphore(%arg12 : memref<!tpu.dma_semaphore, #tpu.memory_space<semaphore_mem>>) src(%dma_wait3A_801 : memref<64x128xf32, #tpu.memory_space<vmem_shared>>) dst(%dma_wait3A_797 : memref<40x128xf32, #tpu.memory_space<vmem>>)
      %add3A_802 = arith.addi %mul3A_2, %mul3A_716 : i32
      %dma_start3A_803 = arith.constant 0 : i32
      %dma_start3A_804 = tpu.memref_slice %arg4[%add3A_802, %dma_start3A_803] : memref<320000x128xf32, #tpu.memory_space<hbm>> -> memref<200x128xf32, #tpu.memory_space<hbm>>
      %dma_start3A_805 = arith.constant 0 : i32
      %dma_start3A_806 = tpu.memref_slice %arg4[%add3A_802, %dma_start3A_805] : memref<320000x128xf32, #tpu.memory_space<hbm>> -> memref<200x128xf32, #tpu.memory_space<hbm>>
      tpu.enqueue_dma source(%arg11 : memref<200x128xf32, #tpu.memory_space<vmem>>) target(%dma_start3A_806 : memref<200x128xf32, #tpu.memory_space<hbm>>) target_semaphore(%arg14 : memref<!tpu.dma_semaphore, #tpu.memory_space<semaphore_mem>>)
    }
    %scan3A_25 = arith.constant 25 : i32
    %add3A_26 = arith.constant 9600 : i32
    %add3A_27 = arith.addi %mul3A_2, %add3A_26 : i32
    %dma_wait3A_28 = arith.constant 0 : i32
    %dma_wait3A_29 = tpu.memref_slice %arg4[%add3A_27, %dma_wait3A_28] : memref<320000x128xf32, #tpu.memory_space<hbm>> -> memref<200x128xf32, #tpu.memory_space<hbm>>
    %dma_wait3A_30 = arith.constant 0 : i32
    %dma_wait3A_31 = tpu.memref_slice %arg4[%add3A_27, %dma_wait3A_30] : memref<320000x128xf32, #tpu.memory_space<hbm>> -> memref<200x128xf32, #tpu.memory_space<hbm>>
    tpu.wait_dma2 semaphore(%arg13 : memref<!tpu.dma_semaphore, #tpu.memory_space<semaphore_mem>>) src(%arg10 : memref<200x128xf32, #tpu.memory_space<vmem>>) dst(%dma_wait3A_31 : memref<200x128xf32, #tpu.memory_space<hbm>>)
    %add3A_32 = arith.constant 9800 : i32
    %add3A_33 = arith.addi %mul3A_2, %add3A_32 : i32
    %dma_wait3A_34 = arith.constant 0 : i32
    %dma_wait3A_35 = tpu.memref_slice %arg4[%add3A_33, %dma_wait3A_34] : memref<320000x128xf32, #tpu.memory_space<hbm>> -> memref<200x128xf32, #tpu.memory_space<hbm>>
    %dma_wait3A_36 = arith.constant 0 : i32
    %dma_wait3A_37 = tpu.memref_slice %arg4[%add3A_33, %dma_wait3A_36] : memref<320000x128xf32, #tpu.memory_space<hbm>> -> memref<200x128xf32, #tpu.memory_space<hbm>>
    tpu.wait_dma2 semaphore(%arg14 : memref<!tpu.dma_semaphore, #tpu.memory_space<semaphore_mem>>) src(%arg11 : memref<200x128xf32, #tpu.memory_space<vmem>>) dst(%dma_wait3A_37 : memref<200x128xf32, #tpu.memory_space<hbm>>)
    return
  }
}

module attributes {stable_mosaic.version = 14 : i64} {
  func.func @_table_body(%arg0: memref<8x128xf32, #tpu.memory_space<vmem>>, %arg1: memref<8x128xf32, #tpu.memory_space<vmem>>, %arg2: memref<8x128xf32, #tpu.memory_space<vmem>>, %arg3: memref<64x128xf32, #tpu.memory_space<vmem>>) attributes {dimension_semantics = [], scalar_prefetch = 0 : i64, scratch_operands = 0 : i64, tpu.core_type = #tpu.core_type<tc>} {
    %iota3A = tpu.iota {dimensions = array<i32: 0>} : vector<64x1xi32>
    %jit3A = arith.constant 12 : i32
    %div3A = vector.broadcast %jit3A : i32 to vector<64x1xi32>
    %div3A_0 = arith.divsi %iota3A, %div3A : vector<64x1xi32>
    %sign3A = arith.constant 0 : i32
    %sign3A_1 = vector.broadcast %sign3A : i32 to vector<64x1xi32>
    %sign3A_2 = arith.cmpi sgt, %iota3A, %sign3A_1 : vector<64x1xi32>
    %sign3A_3 = arith.extui %sign3A_2 : vector<64x1xi1> to vector<64x1xi32>
    %sign3A_4 = arith.constant 0 : i32
    %sign3A_5 = vector.broadcast %sign3A_4 : i32 to vector<64x1xi32>
    %sign3A_6 = arith.cmpi slt, %iota3A, %sign3A_5 : vector<64x1xi32>
    %sign3A_7 = arith.extui %sign3A_6 : vector<64x1xi1> to vector<64x1xi32>
    %sign3A_8 = arith.subi %sign3A_3, %sign3A_7 : vector<64x1xi32>
    %sign3A_9 = arith.constant 0 : i32
    %sign3A_10 = arith.cmpi sgt, %jit3A, %sign3A_9 : i32
    %sign3A_11 = arith.extui %sign3A_10 : i1 to i32
    %sign3A_12 = arith.constant 0 : i32
    %sign3A_13 = arith.cmpi slt, %jit3A, %sign3A_12 : i32
    %sign3A_14 = arith.extui %sign3A_13 : i1 to i32
    %sign3A_15 = arith.subi %sign3A_11, %sign3A_14 : i32
    %ne3A = vector.broadcast %sign3A_15 : i32 to vector<64x1xi32>
    %ne3A_16 = arith.cmpi ne, %sign3A_8, %ne3A : vector<64x1xi32>
    %rem3A = vector.broadcast %jit3A : i32 to vector<64x1xi32>
    %rem3A_17 = arith.remsi %iota3A, %rem3A : vector<64x1xi32>
    %ne3A_18 = arith.constant 0 : i32
    %ne3A_19 = vector.broadcast %ne3A_18 : i32 to vector<64x1xi32>
    %ne3A_20 = arith.cmpi ne, %rem3A_17, %ne3A_19 : vector<64x1xi32>
    %and3A = arith.andi %ne3A_16, %ne3A_20 : vector<64x1xi1>
    %sub3A = arith.constant 1 : i32
    %sub3A_21 = vector.broadcast %sub3A : i32 to vector<64x1xi32>
    %sub3A_22 = arith.subi %div3A_0, %sub3A_21 : vector<64x1xi32>
    %select_n3A = arith.select %and3A, %sub3A_22, %div3A_0 : vector<64x1xi1>, vector<64x1xi32>
    %jit3A_23 = arith.constant 12 : i32
    %eq3A = arith.constant 0 : i32
    %eq3A_24 = arith.cmpi eq, %jit3A_23, %eq3A : i32
    %jit3A_25 = arith.constant 1 : i32
    %select_n3A_26 = arith.select %eq3A_24, %jit3A_25, %jit3A_23 : i32
    %rem3A_27 = vector.broadcast %select_n3A_26 : i32 to vector<64x1xi32>
    %rem3A_28 = arith.remsi %iota3A, %rem3A_27 : vector<64x1xi32>
    %ne3A_29 = arith.constant 0 : i32
    %ne3A_30 = vector.broadcast %ne3A_29 : i32 to vector<64x1xi32>
    %ne3A_31 = arith.cmpi ne, %rem3A_28, %ne3A_30 : vector<64x1xi32>
    %lt3A = arith.constant 0 : i32
    %lt3A_32 = vector.broadcast %lt3A : i32 to vector<64x1xi32>
    %lt3A_33 = arith.cmpi slt, %rem3A_28, %lt3A_32 : vector<64x1xi32>
    %lt3A_34 = arith.constant 0 : i32
    %lt3A_35 = arith.cmpi slt, %select_n3A_26, %lt3A_34 : i32
    %ne3A_36 = vector.broadcast %lt3A_35 : i1 to vector<64x1xi1>
    %ne3A_37 = vector.broadcast %ne3A_36 : vector<64x1xi1> to vector<64x1xi1>
    %ne3A_38 = arith.xori %lt3A_33, %ne3A_37 : vector<64x1xi1>
    %and3A_39 = arith.andi %ne3A_38, %ne3A_31 : vector<64x1xi1>
    %add3A = vector.broadcast %select_n3A_26 : i32 to vector<64x1xi32>
    %add3A_40 = arith.addi %rem3A_28, %add3A : vector<64x1xi32>
    %select_n3A_41 = arith.select %and3A_39, %add3A_40, %rem3A_28 : vector<64x1xi1>, vector<64x1xi32>
    %jit3A_42 = arith.constant 2 : i32
    %div3A_43 = vector.broadcast %jit3A_42 : i32 to vector<64x1xi32>
    %div3A_44 = arith.divsi %select_n3A_41, %div3A_43 : vector<64x1xi32>
    %sign3A_45 = arith.constant 0 : i32
    %sign3A_46 = vector.broadcast %sign3A_45 : i32 to vector<64x1xi32>
    %sign3A_47 = arith.cmpi sgt, %select_n3A_41, %sign3A_46 : vector<64x1xi32>
    %sign3A_48 = arith.extui %sign3A_47 : vector<64x1xi1> to vector<64x1xi32>
    %sign3A_49 = arith.constant 0 : i32
    %sign3A_50 = vector.broadcast %sign3A_49 : i32 to vector<64x1xi32>
    %sign3A_51 = arith.cmpi slt, %select_n3A_41, %sign3A_50 : vector<64x1xi32>
    %sign3A_52 = arith.extui %sign3A_51 : vector<64x1xi1> to vector<64x1xi32>
    %sign3A_53 = arith.subi %sign3A_48, %sign3A_52 : vector<64x1xi32>
    %sign3A_54 = arith.constant 0 : i32
    %sign3A_55 = arith.cmpi sgt, %jit3A_42, %sign3A_54 : i32
    %sign3A_56 = arith.extui %sign3A_55 : i1 to i32
    %sign3A_57 = arith.constant 0 : i32
    %sign3A_58 = arith.cmpi slt, %jit3A_42, %sign3A_57 : i32
    %sign3A_59 = arith.extui %sign3A_58 : i1 to i32
    %sign3A_60 = arith.subi %sign3A_56, %sign3A_59 : i32
    %ne3A_61 = vector.broadcast %sign3A_60 : i32 to vector<64x1xi32>
    %ne3A_62 = arith.cmpi ne, %sign3A_53, %ne3A_61 : vector<64x1xi32>
    %rem3A_63 = vector.broadcast %jit3A_42 : i32 to vector<64x1xi32>
    %rem3A_64 = arith.remsi %select_n3A_41, %rem3A_63 : vector<64x1xi32>
    %ne3A_65 = arith.constant 0 : i32
    %ne3A_66 = vector.broadcast %ne3A_65 : i32 to vector<64x1xi32>
    %ne3A_67 = arith.cmpi ne, %rem3A_64, %ne3A_66 : vector<64x1xi32>
    %and3A_68 = arith.andi %ne3A_62, %ne3A_67 : vector<64x1xi1>
    %sub3A_69 = arith.constant 1 : i32
    %sub3A_70 = vector.broadcast %sub3A_69 : i32 to vector<64x1xi32>
    %sub3A_71 = arith.subi %div3A_44, %sub3A_70 : vector<64x1xi32>
    %select_n3A_72 = arith.select %and3A_68, %sub3A_71, %div3A_44 : vector<64x1xi1>, vector<64x1xi32>
    %jit3A_73 = arith.constant 2 : i32
    %eq3A_74 = arith.constant 0 : i32
    %eq3A_75 = arith.cmpi eq, %jit3A_73, %eq3A_74 : i32
    %jit3A_76 = arith.constant 1 : i32
    %select_n3A_77 = arith.select %eq3A_75, %jit3A_76, %jit3A_73 : i32
    %rem3A_78 = vector.broadcast %select_n3A_77 : i32 to vector<64x1xi32>
    %rem3A_79 = arith.remsi %select_n3A_41, %rem3A_78 : vector<64x1xi32>
    %ne3A_80 = arith.constant 0 : i32
    %ne3A_81 = vector.broadcast %ne3A_80 : i32 to vector<64x1xi32>
    %ne3A_82 = arith.cmpi ne, %rem3A_79, %ne3A_81 : vector<64x1xi32>
    %lt3A_83 = arith.constant 0 : i32
    %lt3A_84 = vector.broadcast %lt3A_83 : i32 to vector<64x1xi32>
    %lt3A_85 = arith.cmpi slt, %rem3A_79, %lt3A_84 : vector<64x1xi32>
    %lt3A_86 = arith.constant 0 : i32
    %lt3A_87 = arith.cmpi slt, %select_n3A_77, %lt3A_86 : i32
    %ne3A_88 = vector.broadcast %lt3A_87 : i1 to vector<64x1xi1>
    %ne3A_89 = vector.broadcast %ne3A_88 : vector<64x1xi1> to vector<64x1xi1>
    %ne3A_90 = arith.xori %lt3A_85, %ne3A_89 : vector<64x1xi1>
    %and3A_91 = arith.andi %ne3A_90, %ne3A_82 : vector<64x1xi1>
    %add3A_92 = vector.broadcast %select_n3A_77 : i32 to vector<64x1xi32>
    %add3A_93 = arith.addi %rem3A_79, %add3A_92 : vector<64x1xi32>
    %select_n3A_94 = arith.select %and3A_91, %add3A_93, %rem3A_79 : vector<64x1xi1>, vector<64x1xi32>
    %broadcast_in_dim3A = arith.constant 0.000000e+00 : f32
    %broadcast_in_dim3A_95 = vector.broadcast %broadcast_in_dim3A : f32 to vector<64x128xf32>
    %eq3A_96 = arith.constant 0 : i32
    %eq3A_97 = vector.broadcast %eq3A_96 : i32 to vector<64x1xi32>
    %eq3A_98 = arith.cmpi eq, %select_n3A, %eq3A_97 : vector<64x1xi32>
    %convert_element_type3A = arith.extui %eq3A_98 : vector<64x1xi1> to vector<64x1xi32>
    %convert_element_type3A_99 = arith.sitofp %convert_element_type3A : vector<64x1xi32> to vector<64x1xf32>
    %get3A = arith.constant 0 : index
    %get3A_100 = arith.constant 0 : index
    %get3A_101 = vector.load %arg0[%get3A, %get3A_100] : memref<8x128xf32, #tpu.memory_space<vmem>>, vector<1x128xf32>
    %mul3A = vector.broadcast %convert_element_type3A_99 : vector<64x1xf32> to vector<64x128xf32>
    %mul3A_102 = vector.broadcast %get3A_101 : vector<1x128xf32> to vector<64x128xf32>
    %mul3A_103 = arith.mulf %mul3A, %mul3A_102 : vector<64x128xf32>
    %add3A_104 = arith.addf %broadcast_in_dim3A_95, %mul3A_103 : vector<64x128xf32>
    %eq3A_105 = arith.constant 1 : i32
    %eq3A_106 = vector.broadcast %eq3A_105 : i32 to vector<64x1xi32>
    %eq3A_107 = arith.cmpi eq, %select_n3A, %eq3A_106 : vector<64x1xi32>
    %convert_element_type3A_108 = arith.extui %eq3A_107 : vector<64x1xi1> to vector<64x1xi32>
    %convert_element_type3A_109 = arith.sitofp %convert_element_type3A_108 : vector<64x1xi32> to vector<64x1xf32>
    %get3A_110 = arith.constant 1 : index
    %get3A_111 = arith.constant 0 : index
    %get3A_112 = vector.load %arg0[%get3A_110, %get3A_111] : memref<8x128xf32, #tpu.memory_space<vmem>>, vector<1x128xf32>
    %mul3A_113 = vector.broadcast %convert_element_type3A_109 : vector<64x1xf32> to vector<64x128xf32>
    %mul3A_114 = vector.broadcast %get3A_112 : vector<1x128xf32> to vector<64x128xf32>
    %mul3A_115 = arith.mulf %mul3A_113, %mul3A_114 : vector<64x128xf32>
    %add3A_116 = arith.addf %add3A_104, %mul3A_115 : vector<64x128xf32>
    %eq3A_117 = arith.constant 2 : i32
    %eq3A_118 = vector.broadcast %eq3A_117 : i32 to vector<64x1xi32>
    %eq3A_119 = arith.cmpi eq, %select_n3A, %eq3A_118 : vector<64x1xi32>
    %convert_element_type3A_120 = arith.extui %eq3A_119 : vector<64x1xi1> to vector<64x1xi32>
    %convert_element_type3A_121 = arith.sitofp %convert_element_type3A_120 : vector<64x1xi32> to vector<64x1xf32>
    %get3A_122 = arith.constant 2 : index
    %get3A_123 = arith.constant 0 : index
    %get3A_124 = vector.load %arg0[%get3A_122, %get3A_123] : memref<8x128xf32, #tpu.memory_space<vmem>>, vector<1x128xf32>
    %mul3A_125 = vector.broadcast %convert_element_type3A_121 : vector<64x1xf32> to vector<64x128xf32>
    %mul3A_126 = vector.broadcast %get3A_124 : vector<1x128xf32> to vector<64x128xf32>
    %mul3A_127 = arith.mulf %mul3A_125, %mul3A_126 : vector<64x128xf32>
    %add3A_128 = arith.addf %add3A_116, %mul3A_127 : vector<64x128xf32>
    %eq3A_129 = arith.constant 3 : i32
    %eq3A_130 = vector.broadcast %eq3A_129 : i32 to vector<64x1xi32>
    %eq3A_131 = arith.cmpi eq, %select_n3A, %eq3A_130 : vector<64x1xi32>
    %convert_element_type3A_132 = arith.extui %eq3A_131 : vector<64x1xi1> to vector<64x1xi32>
    %convert_element_type3A_133 = arith.sitofp %convert_element_type3A_132 : vector<64x1xi32> to vector<64x1xf32>
    %get3A_134 = arith.constant 3 : index
    %get3A_135 = arith.constant 0 : index
    %get3A_136 = vector.load %arg0[%get3A_134, %get3A_135] : memref<8x128xf32, #tpu.memory_space<vmem>>, vector<1x128xf32>
    %mul3A_137 = vector.broadcast %convert_element_type3A_133 : vector<64x1xf32> to vector<64x128xf32>
    %mul3A_138 = vector.broadcast %get3A_136 : vector<1x128xf32> to vector<64x128xf32>
    %mul3A_139 = arith.mulf %mul3A_137, %mul3A_138 : vector<64x128xf32>
    %add3A_140 = arith.addf %add3A_128, %mul3A_139 : vector<64x128xf32>
    %eq3A_141 = arith.constant 4 : i32
    %eq3A_142 = vector.broadcast %eq3A_141 : i32 to vector<64x1xi32>
    %eq3A_143 = arith.cmpi eq, %select_n3A, %eq3A_142 : vector<64x1xi32>
    %convert_element_type3A_144 = arith.extui %eq3A_143 : vector<64x1xi1> to vector<64x1xi32>
    %convert_element_type3A_145 = arith.sitofp %convert_element_type3A_144 : vector<64x1xi32> to vector<64x1xf32>
    %get3A_146 = arith.constant 4 : index
    %get3A_147 = arith.constant 0 : index
    %get3A_148 = vector.load %arg0[%get3A_146, %get3A_147] : memref<8x128xf32, #tpu.memory_space<vmem>>, vector<1x128xf32>
    %mul3A_149 = vector.broadcast %convert_element_type3A_145 : vector<64x1xf32> to vector<64x128xf32>
    %mul3A_150 = vector.broadcast %get3A_148 : vector<1x128xf32> to vector<64x128xf32>
    %mul3A_151 = arith.mulf %mul3A_149, %mul3A_150 : vector<64x128xf32>
    %add3A_152 = arith.addf %add3A_140, %mul3A_151 : vector<64x128xf32>
    %eq3A_153 = arith.constant 5 : i32
    %eq3A_154 = vector.broadcast %eq3A_153 : i32 to vector<64x1xi32>
    %eq3A_155 = arith.cmpi eq, %select_n3A, %eq3A_154 : vector<64x1xi32>
    %convert_element_type3A_156 = arith.extui %eq3A_155 : vector<64x1xi1> to vector<64x1xi32>
    %convert_element_type3A_157 = arith.sitofp %convert_element_type3A_156 : vector<64x1xi32> to vector<64x1xf32>
    %get3A_158 = arith.constant 5 : index
    %get3A_159 = arith.constant 0 : index
    %get3A_160 = vector.load %arg0[%get3A_158, %get3A_159] : memref<8x128xf32, #tpu.memory_space<vmem>>, vector<1x128xf32>
    %mul3A_161 = vector.broadcast %convert_element_type3A_157 : vector<64x1xf32> to vector<64x128xf32>
    %mul3A_162 = vector.broadcast %get3A_160 : vector<1x128xf32> to vector<64x128xf32>
    %mul3A_163 = arith.mulf %mul3A_161, %mul3A_162 : vector<64x128xf32>
    %add3A_164 = arith.addf %add3A_152, %mul3A_163 : vector<64x128xf32>
    %eq3A_165 = arith.constant 6 : i32
    %eq3A_166 = vector.broadcast %eq3A_165 : i32 to vector<64x1xi32>
    %eq3A_167 = arith.cmpi eq, %select_n3A, %eq3A_166 : vector<64x1xi32>
    %convert_element_type3A_168 = arith.extui %eq3A_167 : vector<64x1xi1> to vector<64x1xi32>
    %convert_element_type3A_169 = arith.sitofp %convert_element_type3A_168 : vector<64x1xi32> to vector<64x1xf32>
    %get3A_170 = arith.constant 6 : index
    %get3A_171 = arith.constant 0 : index
    %get3A_172 = vector.load %arg0[%get3A_170, %get3A_171] : memref<8x128xf32, #tpu.memory_space<vmem>>, vector<1x128xf32>
    %mul3A_173 = vector.broadcast %convert_element_type3A_169 : vector<64x1xf32> to vector<64x128xf32>
    %mul3A_174 = vector.broadcast %get3A_172 : vector<1x128xf32> to vector<64x128xf32>
    %mul3A_175 = arith.mulf %mul3A_173, %mul3A_174 : vector<64x128xf32>
    %add3A_176 = arith.addf %add3A_164, %mul3A_175 : vector<64x128xf32>
    %eq3A_177 = arith.constant 7 : i32
    %eq3A_178 = vector.broadcast %eq3A_177 : i32 to vector<64x1xi32>
    %eq3A_179 = arith.cmpi eq, %select_n3A, %eq3A_178 : vector<64x1xi32>
    %convert_element_type3A_180 = arith.extui %eq3A_179 : vector<64x1xi1> to vector<64x1xi32>
    %convert_element_type3A_181 = arith.sitofp %convert_element_type3A_180 : vector<64x1xi32> to vector<64x1xf32>
    %get3A_182 = arith.constant 7 : index
    %get3A_183 = arith.constant 0 : index
    %get3A_184 = vector.load %arg0[%get3A_182, %get3A_183] : memref<8x128xf32, #tpu.memory_space<vmem>>, vector<1x128xf32>
    %mul3A_185 = vector.broadcast %convert_element_type3A_181 : vector<64x1xf32> to vector<64x128xf32>
    %mul3A_186 = vector.broadcast %get3A_184 : vector<1x128xf32> to vector<64x128xf32>
    %mul3A_187 = arith.mulf %mul3A_185, %mul3A_186 : vector<64x128xf32>
    %add3A_188 = arith.addf %add3A_176, %mul3A_187 : vector<64x128xf32>
    %broadcast_in_dim3A_189 = arith.constant 0.000000e+00 : f32
    %broadcast_in_dim3A_190 = vector.broadcast %broadcast_in_dim3A_189 : f32 to vector<64x128xf32>
    %eq3A_191 = arith.constant 0 : i32
    %eq3A_192 = vector.broadcast %eq3A_191 : i32 to vector<64x1xi32>
    %eq3A_193 = arith.cmpi eq, %select_n3A_72, %eq3A_192 : vector<64x1xi32>
    %convert_element_type3A_194 = arith.extui %eq3A_193 : vector<64x1xi1> to vector<64x1xi32>
    %convert_element_type3A_195 = arith.sitofp %convert_element_type3A_194 : vector<64x1xi32> to vector<64x1xf32>
    %get3A_196 = arith.constant 0 : index
    %get3A_197 = arith.constant 0 : index
    %get3A_198 = vector.load %arg1[%get3A_196, %get3A_197] : memref<8x128xf32, #tpu.memory_space<vmem>>, vector<1x128xf32>
    %mul3A_199 = vector.broadcast %convert_element_type3A_195 : vector<64x1xf32> to vector<64x128xf32>
    %mul3A_200 = vector.broadcast %get3A_198 : vector<1x128xf32> to vector<64x128xf32>
    %mul3A_201 = arith.mulf %mul3A_199, %mul3A_200 : vector<64x128xf32>
    %add3A_202 = arith.addf %broadcast_in_dim3A_190, %mul3A_201 : vector<64x128xf32>
    %eq3A_203 = arith.constant 1 : i32
    %eq3A_204 = vector.broadcast %eq3A_203 : i32 to vector<64x1xi32>
    %eq3A_205 = arith.cmpi eq, %select_n3A_72, %eq3A_204 : vector<64x1xi32>
    %convert_element_type3A_206 = arith.extui %eq3A_205 : vector<64x1xi1> to vector<64x1xi32>
    %convert_element_type3A_207 = arith.sitofp %convert_element_type3A_206 : vector<64x1xi32> to vector<64x1xf32>
    %get3A_208 = arith.constant 1 : index
    %get3A_209 = arith.constant 0 : index
    %get3A_210 = vector.load %arg1[%get3A_208, %get3A_209] : memref<8x128xf32, #tpu.memory_space<vmem>>, vector<1x128xf32>
    %mul3A_211 = vector.broadcast %convert_element_type3A_207 : vector<64x1xf32> to vector<64x128xf32>
    %mul3A_212 = vector.broadcast %get3A_210 : vector<1x128xf32> to vector<64x128xf32>
    %mul3A_213 = arith.mulf %mul3A_211, %mul3A_212 : vector<64x128xf32>
    %add3A_214 = arith.addf %add3A_202, %mul3A_213 : vector<64x128xf32>
    %eq3A_215 = arith.constant 2 : i32
    %eq3A_216 = vector.broadcast %eq3A_215 : i32 to vector<64x1xi32>
    %eq3A_217 = arith.cmpi eq, %select_n3A_72, %eq3A_216 : vector<64x1xi32>
    %convert_element_type3A_218 = arith.extui %eq3A_217 : vector<64x1xi1> to vector<64x1xi32>
    %convert_element_type3A_219 = arith.sitofp %convert_element_type3A_218 : vector<64x1xi32> to vector<64x1xf32>
    %get3A_220 = arith.constant 2 : index
    %get3A_221 = arith.constant 0 : index
    %get3A_222 = vector.load %arg1[%get3A_220, %get3A_221] : memref<8x128xf32, #tpu.memory_space<vmem>>, vector<1x128xf32>
    %mul3A_223 = vector.broadcast %convert_element_type3A_219 : vector<64x1xf32> to vector<64x128xf32>
    %mul3A_224 = vector.broadcast %get3A_222 : vector<1x128xf32> to vector<64x128xf32>
    %mul3A_225 = arith.mulf %mul3A_223, %mul3A_224 : vector<64x128xf32>
    %add3A_226 = arith.addf %add3A_214, %mul3A_225 : vector<64x128xf32>
    %eq3A_227 = arith.constant 3 : i32
    %eq3A_228 = vector.broadcast %eq3A_227 : i32 to vector<64x1xi32>
    %eq3A_229 = arith.cmpi eq, %select_n3A_72, %eq3A_228 : vector<64x1xi32>
    %convert_element_type3A_230 = arith.extui %eq3A_229 : vector<64x1xi1> to vector<64x1xi32>
    %convert_element_type3A_231 = arith.sitofp %convert_element_type3A_230 : vector<64x1xi32> to vector<64x1xf32>
    %get3A_232 = arith.constant 3 : index
    %get3A_233 = arith.constant 0 : index
    %get3A_234 = vector.load %arg1[%get3A_232, %get3A_233] : memref<8x128xf32, #tpu.memory_space<vmem>>, vector<1x128xf32>
    %mul3A_235 = vector.broadcast %convert_element_type3A_231 : vector<64x1xf32> to vector<64x128xf32>
    %mul3A_236 = vector.broadcast %get3A_234 : vector<1x128xf32> to vector<64x128xf32>
    %mul3A_237 = arith.mulf %mul3A_235, %mul3A_236 : vector<64x128xf32>
    %add3A_238 = arith.addf %add3A_226, %mul3A_237 : vector<64x128xf32>
    %eq3A_239 = arith.constant 4 : i32
    %eq3A_240 = vector.broadcast %eq3A_239 : i32 to vector<64x1xi32>
    %eq3A_241 = arith.cmpi eq, %select_n3A_72, %eq3A_240 : vector<64x1xi32>
    %convert_element_type3A_242 = arith.extui %eq3A_241 : vector<64x1xi1> to vector<64x1xi32>
    %convert_element_type3A_243 = arith.sitofp %convert_element_type3A_242 : vector<64x1xi32> to vector<64x1xf32>
    %get3A_244 = arith.constant 4 : index
    %get3A_245 = arith.constant 0 : index
    %get3A_246 = vector.load %arg1[%get3A_244, %get3A_245] : memref<8x128xf32, #tpu.memory_space<vmem>>, vector<1x128xf32>
    %mul3A_247 = vector.broadcast %convert_element_type3A_243 : vector<64x1xf32> to vector<64x128xf32>
    %mul3A_248 = vector.broadcast %get3A_246 : vector<1x128xf32> to vector<64x128xf32>
    %mul3A_249 = arith.mulf %mul3A_247, %mul3A_248 : vector<64x128xf32>
    %add3A_250 = arith.addf %add3A_238, %mul3A_249 : vector<64x128xf32>
    %eq3A_251 = arith.constant 5 : i32
    %eq3A_252 = vector.broadcast %eq3A_251 : i32 to vector<64x1xi32>
    %eq3A_253 = arith.cmpi eq, %select_n3A_72, %eq3A_252 : vector<64x1xi32>
    %convert_element_type3A_254 = arith.extui %eq3A_253 : vector<64x1xi1> to vector<64x1xi32>
    %convert_element_type3A_255 = arith.sitofp %convert_element_type3A_254 : vector<64x1xi32> to vector<64x1xf32>
    %get3A_256 = arith.constant 5 : index
    %get3A_257 = arith.constant 0 : index
    %get3A_258 = vector.load %arg1[%get3A_256, %get3A_257] : memref<8x128xf32, #tpu.memory_space<vmem>>, vector<1x128xf32>
    %mul3A_259 = vector.broadcast %convert_element_type3A_255 : vector<64x1xf32> to vector<64x128xf32>
    %mul3A_260 = vector.broadcast %get3A_258 : vector<1x128xf32> to vector<64x128xf32>
    %mul3A_261 = arith.mulf %mul3A_259, %mul3A_260 : vector<64x128xf32>
    %add3A_262 = arith.addf %add3A_250, %mul3A_261 : vector<64x128xf32>
    %eq3A_263 = arith.constant 6 : i32
    %eq3A_264 = vector.broadcast %eq3A_263 : i32 to vector<64x1xi32>
    %eq3A_265 = arith.cmpi eq, %select_n3A_72, %eq3A_264 : vector<64x1xi32>
    %convert_element_type3A_266 = arith.extui %eq3A_265 : vector<64x1xi1> to vector<64x1xi32>
    %convert_element_type3A_267 = arith.sitofp %convert_element_type3A_266 : vector<64x1xi32> to vector<64x1xf32>
    %get3A_268 = arith.constant 6 : index
    %get3A_269 = arith.constant 0 : index
    %get3A_270 = vector.load %arg1[%get3A_268, %get3A_269] : memref<8x128xf32, #tpu.memory_space<vmem>>, vector<1x128xf32>
    %mul3A_271 = vector.broadcast %convert_element_type3A_267 : vector<64x1xf32> to vector<64x128xf32>
    %mul3A_272 = vector.broadcast %get3A_270 : vector<1x128xf32> to vector<64x128xf32>
    %mul3A_273 = arith.mulf %mul3A_271, %mul3A_272 : vector<64x128xf32>
    %add3A_274 = arith.addf %add3A_262, %mul3A_273 : vector<64x128xf32>
    %eq3A_275 = arith.constant 7 : i32
    %eq3A_276 = vector.broadcast %eq3A_275 : i32 to vector<64x1xi32>
    %eq3A_277 = arith.cmpi eq, %select_n3A_72, %eq3A_276 : vector<64x1xi32>
    %convert_element_type3A_278 = arith.extui %eq3A_277 : vector<64x1xi1> to vector<64x1xi32>
    %convert_element_type3A_279 = arith.sitofp %convert_element_type3A_278 : vector<64x1xi32> to vector<64x1xf32>
    %get3A_280 = arith.constant 7 : index
    %get3A_281 = arith.constant 0 : index
    %get3A_282 = vector.load %arg1[%get3A_280, %get3A_281] : memref<8x128xf32, #tpu.memory_space<vmem>>, vector<1x128xf32>
    %mul3A_283 = vector.broadcast %convert_element_type3A_279 : vector<64x1xf32> to vector<64x128xf32>
    %mul3A_284 = vector.broadcast %get3A_282 : vector<1x128xf32> to vector<64x128xf32>
    %mul3A_285 = arith.mulf %mul3A_283, %mul3A_284 : vector<64x128xf32>
    %add3A_286 = arith.addf %add3A_274, %mul3A_285 : vector<64x128xf32>
    %add3A_287 = arith.addf %add3A_188, %add3A_286 : vector<64x128xf32>
    %broadcast_in_dim3A_288 = arith.constant 0.000000e+00 : f32
    %broadcast_in_dim3A_289 = vector.broadcast %broadcast_in_dim3A_288 : f32 to vector<64x128xf32>
    %eq3A_290 = arith.constant 0 : i32
    %eq3A_291 = vector.broadcast %eq3A_290 : i32 to vector<64x1xi32>
    %eq3A_292 = arith.cmpi eq, %select_n3A_94, %eq3A_291 : vector<64x1xi32>
    %convert_element_type3A_293 = arith.extui %eq3A_292 : vector<64x1xi1> to vector<64x1xi32>
    %convert_element_type3A_294 = arith.sitofp %convert_element_type3A_293 : vector<64x1xi32> to vector<64x1xf32>
    %get3A_295 = arith.constant 0 : index
    %get3A_296 = arith.constant 0 : index
    %get3A_297 = vector.load %arg2[%get3A_295, %get3A_296] : memref<8x128xf32, #tpu.memory_space<vmem>>, vector<1x128xf32>
    %mul3A_298 = vector.broadcast %convert_element_type3A_294 : vector<64x1xf32> to vector<64x128xf32>
    %mul3A_299 = vector.broadcast %get3A_297 : vector<1x128xf32> to vector<64x128xf32>
    %mul3A_300 = arith.mulf %mul3A_298, %mul3A_299 : vector<64x128xf32>
    %add3A_301 = arith.addf %broadcast_in_dim3A_289, %mul3A_300 : vector<64x128xf32>
    %eq3A_302 = arith.constant 1 : i32
    %eq3A_303 = vector.broadcast %eq3A_302 : i32 to vector<64x1xi32>
    %eq3A_304 = arith.cmpi eq, %select_n3A_94, %eq3A_303 : vector<64x1xi32>
    %convert_element_type3A_305 = arith.extui %eq3A_304 : vector<64x1xi1> to vector<64x1xi32>
    %convert_element_type3A_306 = arith.sitofp %convert_element_type3A_305 : vector<64x1xi32> to vector<64x1xf32>
    %get3A_307 = arith.constant 1 : index
    %get3A_308 = arith.constant 0 : index
    %get3A_309 = vector.load %arg2[%get3A_307, %get3A_308] : memref<8x128xf32, #tpu.memory_space<vmem>>, vector<1x128xf32>
    %mul3A_310 = vector.broadcast %convert_element_type3A_306 : vector<64x1xf32> to vector<64x128xf32>
    %mul3A_311 = vector.broadcast %get3A_309 : vector<1x128xf32> to vector<64x128xf32>
    %mul3A_312 = arith.mulf %mul3A_310, %mul3A_311 : vector<64x128xf32>
    %add3A_313 = arith.addf %add3A_301, %mul3A_312 : vector<64x128xf32>
    %eq3A_314 = arith.constant 2 : i32
    %eq3A_315 = vector.broadcast %eq3A_314 : i32 to vector<64x1xi32>
    %eq3A_316 = arith.cmpi eq, %select_n3A_94, %eq3A_315 : vector<64x1xi32>
    %convert_element_type3A_317 = arith.extui %eq3A_316 : vector<64x1xi1> to vector<64x1xi32>
    %convert_element_type3A_318 = arith.sitofp %convert_element_type3A_317 : vector<64x1xi32> to vector<64x1xf32>
    %get3A_319 = arith.constant 2 : index
    %get3A_320 = arith.constant 0 : index
    %get3A_321 = vector.load %arg2[%get3A_319, %get3A_320] : memref<8x128xf32, #tpu.memory_space<vmem>>, vector<1x128xf32>
    %mul3A_322 = vector.broadcast %convert_element_type3A_318 : vector<64x1xf32> to vector<64x128xf32>
    %mul3A_323 = vector.broadcast %get3A_321 : vector<1x128xf32> to vector<64x128xf32>
    %mul3A_324 = arith.mulf %mul3A_322, %mul3A_323 : vector<64x128xf32>
    %add3A_325 = arith.addf %add3A_313, %mul3A_324 : vector<64x128xf32>
    %eq3A_326 = arith.constant 3 : i32
    %eq3A_327 = vector.broadcast %eq3A_326 : i32 to vector<64x1xi32>
    %eq3A_328 = arith.cmpi eq, %select_n3A_94, %eq3A_327 : vector<64x1xi32>
    %convert_element_type3A_329 = arith.extui %eq3A_328 : vector<64x1xi1> to vector<64x1xi32>
    %convert_element_type3A_330 = arith.sitofp %convert_element_type3A_329 : vector<64x1xi32> to vector<64x1xf32>
    %get3A_331 = arith.constant 3 : index
    %get3A_332 = arith.constant 0 : index
    %get3A_333 = vector.load %arg2[%get3A_331, %get3A_332] : memref<8x128xf32, #tpu.memory_space<vmem>>, vector<1x128xf32>
    %mul3A_334 = vector.broadcast %convert_element_type3A_330 : vector<64x1xf32> to vector<64x128xf32>
    %mul3A_335 = vector.broadcast %get3A_333 : vector<1x128xf32> to vector<64x128xf32>
    %mul3A_336 = arith.mulf %mul3A_334, %mul3A_335 : vector<64x128xf32>
    %add3A_337 = arith.addf %add3A_325, %mul3A_336 : vector<64x128xf32>
    %eq3A_338 = arith.constant 4 : i32
    %eq3A_339 = vector.broadcast %eq3A_338 : i32 to vector<64x1xi32>
    %eq3A_340 = arith.cmpi eq, %select_n3A_94, %eq3A_339 : vector<64x1xi32>
    %convert_element_type3A_341 = arith.extui %eq3A_340 : vector<64x1xi1> to vector<64x1xi32>
    %convert_element_type3A_342 = arith.sitofp %convert_element_type3A_341 : vector<64x1xi32> to vector<64x1xf32>
    %get3A_343 = arith.constant 4 : index
    %get3A_344 = arith.constant 0 : index
    %get3A_345 = vector.load %arg2[%get3A_343, %get3A_344] : memref<8x128xf32, #tpu.memory_space<vmem>>, vector<1x128xf32>
    %mul3A_346 = vector.broadcast %convert_element_type3A_342 : vector<64x1xf32> to vector<64x128xf32>
    %mul3A_347 = vector.broadcast %get3A_345 : vector<1x128xf32> to vector<64x128xf32>
    %mul3A_348 = arith.mulf %mul3A_346, %mul3A_347 : vector<64x128xf32>
    %add3A_349 = arith.addf %add3A_337, %mul3A_348 : vector<64x128xf32>
    %eq3A_350 = arith.constant 5 : i32
    %eq3A_351 = vector.broadcast %eq3A_350 : i32 to vector<64x1xi32>
    %eq3A_352 = arith.cmpi eq, %select_n3A_94, %eq3A_351 : vector<64x1xi32>
    %convert_element_type3A_353 = arith.extui %eq3A_352 : vector<64x1xi1> to vector<64x1xi32>
    %convert_element_type3A_354 = arith.sitofp %convert_element_type3A_353 : vector<64x1xi32> to vector<64x1xf32>
    %get3A_355 = arith.constant 5 : index
    %get3A_356 = arith.constant 0 : index
    %get3A_357 = vector.load %arg2[%get3A_355, %get3A_356] : memref<8x128xf32, #tpu.memory_space<vmem>>, vector<1x128xf32>
    %mul3A_358 = vector.broadcast %convert_element_type3A_354 : vector<64x1xf32> to vector<64x128xf32>
    %mul3A_359 = vector.broadcast %get3A_357 : vector<1x128xf32> to vector<64x128xf32>
    %mul3A_360 = arith.mulf %mul3A_358, %mul3A_359 : vector<64x128xf32>
    %add3A_361 = arith.addf %add3A_349, %mul3A_360 : vector<64x128xf32>
    %eq3A_362 = arith.constant 6 : i32
    %eq3A_363 = vector.broadcast %eq3A_362 : i32 to vector<64x1xi32>
    %eq3A_364 = arith.cmpi eq, %select_n3A_94, %eq3A_363 : vector<64x1xi32>
    %convert_element_type3A_365 = arith.extui %eq3A_364 : vector<64x1xi1> to vector<64x1xi32>
    %convert_element_type3A_366 = arith.sitofp %convert_element_type3A_365 : vector<64x1xi32> to vector<64x1xf32>
    %get3A_367 = arith.constant 6 : index
    %get3A_368 = arith.constant 0 : index
    %get3A_369 = vector.load %arg2[%get3A_367, %get3A_368] : memref<8x128xf32, #tpu.memory_space<vmem>>, vector<1x128xf32>
    %mul3A_370 = vector.broadcast %convert_element_type3A_366 : vector<64x1xf32> to vector<64x128xf32>
    %mul3A_371 = vector.broadcast %get3A_369 : vector<1x128xf32> to vector<64x128xf32>
    %mul3A_372 = arith.mulf %mul3A_370, %mul3A_371 : vector<64x128xf32>
    %add3A_373 = arith.addf %add3A_361, %mul3A_372 : vector<64x128xf32>
    %eq3A_374 = arith.constant 7 : i32
    %eq3A_375 = vector.broadcast %eq3A_374 : i32 to vector<64x1xi32>
    %eq3A_376 = arith.cmpi eq, %select_n3A_94, %eq3A_375 : vector<64x1xi32>
    %convert_element_type3A_377 = arith.extui %eq3A_376 : vector<64x1xi1> to vector<64x1xi32>
    %convert_element_type3A_378 = arith.sitofp %convert_element_type3A_377 : vector<64x1xi32> to vector<64x1xf32>
    %get3A_379 = arith.constant 7 : index
    %get3A_380 = arith.constant 0 : index
    %get3A_381 = vector.load %arg2[%get3A_379, %get3A_380] : memref<8x128xf32, #tpu.memory_space<vmem>>, vector<1x128xf32>
    %mul3A_382 = vector.broadcast %convert_element_type3A_378 : vector<64x1xf32> to vector<64x128xf32>
    %mul3A_383 = vector.broadcast %get3A_381 : vector<1x128xf32> to vector<64x128xf32>
    %mul3A_384 = arith.mulf %mul3A_382, %mul3A_383 : vector<64x128xf32>
    %add3A_385 = arith.addf %add3A_373, %mul3A_384 : vector<64x128xf32>
    %add3A_386 = arith.addf %add3A_287, %add3A_385 : vector<64x128xf32>
    %swap3A = arith.constant 0 : index
    %swap3A_387 = arith.constant 0 : index
    %swap3A_388 = vector.load %arg3[%swap3A, %swap3A_387] : memref<64x128xf32, #tpu.memory_space<vmem>>, vector<64x128xf32>
    tpu.vector_store %arg3[%swap3A, %swap3A_387], %add3A_386 {strides = array<i32>} : memref<64x128xf32, #tpu.memory_space<vmem>>, vector<64x128xf32>,
    return
  }
}

</mosaic_0001>

<sc_bundles>
// kernel: kernel.4.cloned.1.call-start
scs
__scs_entry_jumppad:
0x0: {  	(pc) =	sbr.rel $0x88, $3  }
0x1: {  	(tag) =	ssettag $0x0;
	lr =	simm.s32 $0x1  }
0x2: {  	[smem:$0x3F9D] =	sst lr;
	_ =	strace $0xD0000000  }
0x3: {  	_ = 	snop  }
0x4: {  	_ = 	snop  }
0x5: {  	_ = 	snop  }
0x6: {  	_ = 	snop  }
0x7: {  	_ = 	snop  }
__scs_overlays_trampoline_lowered:
0x8: {  	[smem:$0x3FAC] =	sst s0  }
0x9: {  	[smem:$0x3FAD] =	sst s1  }
0xa: {  	[smem:$0x3FAE] =	sst s2  }
0xb: {  	[smem:$0x3FAF] =	sst s3  }
0xc: {  	[smem:$0x3FB0] =	sst s4  }
0xd: {  	[smem:$0x3FB1] =	sst s5  }
0xe: {  	[smem:$0x3FB2] =	sst s6  }
0xf: {  	[smem:$0x3FB3] =	sst s7  }
0x10: {  	[smem:$0x3FB4] =	sst s8  }
0x11: {  	[smem:$0x3FB5] =	sst s9;
	s0 =	simm.s32 @!p0 $0x0  }
0x12: {  	s1 =	sld [smem:$0x3F9B];
	s0 =	simm.s32 @p0 $0x1  }
0x13: {  	[smem:$0x3FB6] =	sst s0;
	s0 =	simm.s32 @!p1 $0x0  }
0x14: {  	s2 =	sld [smem:$0x3F9A];
	s0 =	simm.s32 @p1 $0x1  }
0x15: {  	[smem:$0x3FB7] =	sst s0;
	s0 =	simm.s32 @!p2 $0x0  }
0x16: {  	s3 =	sld [smem:$0x3FDB];
	s0 =	simm.s32 @p2 $0x1  }
0x17: {  	s4 =	simm.s32 $0x1BF5;
	[smem:$0x3FB9] =	sst s0  }
0x18: {  	s0 =	sld [smem:$0x3F9C];
	_ =	swait.ge [sflag:s4], $0x0  }
0x19: {  	s7 =	sld [smem:$0x3F9D]  }
0x1a: {  	s8 =	sadd.s32 $0xFFFFE003, lr  }
0x1b: {  	s9 =	sadd.s32 $0xFFFFFEF7, lr;
	s5 =	simm.s32 $0xFFFFFFFF;
	p2 =	slt.u32 s8, $0xFFFFF086  }
0x1c: {  	p1 =	slt.u32 s9, $0xF7A;
	s5 =	simm.s32 @!p2 $0x0  }
0x1d: {  	s5 =	simm.s32 @p1 $0x1;
	p0 =	seq.s32 s7, s2  }
0x1e: {  	s7 =	smul.u32 @!p0 $0xF7A, s2;
	p2 =	seq.s32 @!p0 s5, $0x0  }
0x1f: {  	s9 =	smul.u32 $0xF7A, s1;
	s8 =	simm.s32 @!p0 $0x1BF5;
	p2 =	por !p2, p0  }
0x20: {  	[sflag:s8] =	ssyncset.s32 @!p0 $0xFFFFF086;
	s6 =	sadd.s32 @!p0 s3, s7;
	s7 =	simm.s32 @!p0 $0x108  }
0x21: {  	s3 =	sadd.s32 s3, s9;
	s6 =	sadd.s32 @!p0 $0x88, s6;
	s7 =	simm.s32 @p2 $0x1082  }
0x22: {  	[simem:s7], [sflag:s8] =	dma.local @!p0 [hbm:s6], $0xF7A  }
0x23: {  	s9 =	sor.u32 $0xD0000000, s2;
	s6 =	simm.s32 $0x108;
	_ =	swait.ge @!p0 [sflag:s8], $0x0  }
0x24: {  	s3 =	sadd.s32 $0x88, s3;
	s6 =	simm.s32 @!p1 $0x1082;
	[sflag:s4] =	ssyncset.s32 $0xFFFFF086  }
0x25: {  	[simem:s6], [sflag:s4] =	dma.local [hbm:s3], $0xF7A  }
0x26: {  	[smem:$0x3F9D] =	sst s1;
	(tag) =	ssettag s2;
	_ =	strace s9  }
0x27: {  	s1 =	sld [smem:$0x3FAD]  }
0x28: {  	s2 =	sld [smem:$0x3FAE]  }
0x29: {  	s4 =	sld [smem:$0x3FB0]  }
0x2a: {  	p0 =	seq.s32 s5, $0x0;
	s5 =	sld [smem:$0x3FB1]  }
0x2b: {  	s6 =	sld [smem:$0x3FB2]  }
0x2c: {  	s7 =	sld [smem:$0x3FB3]  }
0x2d: {  	s3 =	simm.s32 $0x108;
	s8 =	sld [smem:$0x3FB4]  }
0x2e: {  	s3 =	simm.s32 @!p0 $0x1082;
	s9 =	sld [smem:$0x3FB5]  }
0x2f: {  	lr =	sadd.s32 s0, s3;
	s0 =	sld [smem:$0x3FAC]  }
0x30: {  	s3 =	sld [smem:$0x3FAF]  }
0x31: {  	[smem:$0x3FB8] =	sst s10  }
0x32: {  	s10 =	sld [smem:$0x3FB6];
	_ =	sdelay $0x3  }
0x33: {  	p0 =	seq.s32 s10, $0x1;
	s10 =	sld [smem:$0x3FB8];
	_ =	sdelay $0x3  }
0x34: {  	[smem:$0x3FB8] =	sst s10  }
0x35: {  	s10 =	sld [smem:$0x3FB7];
	_ =	sdelay $0x3  }
0x36: {  	p1 =	seq.s32 s10, $0x1;
	s10 =	sld [smem:$0x3FB8];
	_ =	sdelay $0x3  }
0x37: {  	[smem:$0x3FB8] =	sst s10  }
0x38: {  	s10 =	sld [smem:$0x3FB9]  }
0x39: {  	_ = 	snop;
	(pc) =	sbr.ind lr, $3  }
0x3a: {  	_ = 	snop  }
0x3b: {  	_ = 	snop  }
0x3c: {  	p2 =	seq.s32 s10, $0x1;
	s10 =	sld [smem:$0x3FB8]  }
0x3d: {  	_ =	shalt  }
0x3e: {  	_ =	shalt  }
0x3f: {  	_ =	shalt  }
0x40: {  	_ =	shalt  }
0x41: {  	_ =	shalt  }
0x42: {  	_ =	shalt  }
0x43: {  	_ =	shalt  }
0x44: {  	_ =	shalt  }
0x45: {  	_ =	shalt  }
0x46: {  	_ =	shalt  }
0x47: {  	_ =	shalt  }
0x48: {  	_ =	shalt  }
0x49: {  	_ =	shalt  }
0x4a: {  	_ =	shalt  }
0x4b: {  	_ =	shalt  }
0x4c: {  	_ =	shalt  }
0x4d: {  	_ =	shalt  }
0x4e: {  	_ =	shalt  }
0x4f: {  	_ =	shalt  }
0x50: {  	_ =	shalt  }
0x51: {  	_ =	shalt  }
0x52: {  	_ =	shalt  }
0x53: {  	_ =	shalt  }
0x54: {  	_ =	shalt  }
0x55: {  	_ =	shalt  }
0x56: {  	_ =	shalt  }
0x57: {  	_ =	shalt  }
0x58: {  	_ =	shalt  }
0x59: {  	_ =	shalt  }
0x5a: {  	_ =	shalt  }
0x5b: {  	_ =	shalt  }
0x5c: {  	_ =	shalt  }
0x5d: {  	_ =	shalt  }
0x5e: {  	_ =	shalt  }
0x5f: {  	_ =	shalt  }
0x60: {  	_ =	shalt  }
0x61: {  	_ =	shalt  }
0x62: {  	_ =	shalt  }
0x63: {  	_ =	shalt  }
0x64: {  	_ =	shalt  }
0x65: {  	_ =	shalt  }
0x66: {  	_ =	shalt  }
0x67: {  	_ =	shalt  }
0x68: {  	_ =	shalt  }
0x69: {  	_ =	shalt  }
0x6a: {  	_ =	shalt  }
0x6b: {  	_ =	shalt  }
0x6c: {  	_ =	shalt  }
0x6d: {  	_ =	shalt  }
0x6e: {  	_ =	shalt  }
0x6f: {  	_ =	shalt  }
0x70: {  	_ =	shalt  }
0x71: {  	_ =	shalt  }
0x72: {  	_ =	shalt  }
0x73: {  	_ =	shalt  }
0x74: {  	_ =	shalt  }
0x75: {  	_ =	shalt  }
0x76: {  	_ =	shalt  }
0x77: {  	_ =	shalt  }
0x78: {  	_ =	shalt  }
0x79: {  	_ =	shalt  }
0x7a: {  	_ =	shalt  }
0x7b: {  	_ =	shalt  }
0x7c: {  	_ =	shalt  }
0x7d: {  	_ =	shalt  }
0x7e: {  	_ =	shalt  }
0x7f: {  	_ =	shalt  }
0x80: {  	_ =	shalt  }
0x81: {  	_ =	shalt  }
0x82: {  	_ =	shalt  }
0x83: {  	_ =	shalt  }
0x84: {  	_ =	shalt  }
0x85: {  	_ =	shalt  }
0x86: {  	_ =	shalt  }
0x87: {  	_ =	shalt  }
.Lfunc_end0:
.L_simem_size_0:
called_computation_lowered:
.L_overlay_start_0:
0x88: {  	s2 =	sld [smem:$0x3FD9]  }
0x89: {  	s3 =	sld [smem:$0x3FFE];
	_ =	sdelay $0x1  }
0x8a: {  	s1 =	srdreg.scid  }
0x8b: {  	s0 =	sand.u32 $0x1, s1  }
0x8c: {  	s17 =	sshll.u32 s0, $0xA;
	s2 =	sadd.s32 s3, s2  }
0x8d: {  	s2 =	sadd.s32 s2, s17  }
0x8e: {  	[smem:$0x3FC4] =	sst s2  }
0x8f: {  	_ = 	snop  }
0x90: {  	s2 =	sld [smem:$0x3FD0];
	(tm) =	ssettm $0x1  }
0x91: {  	s18 =	sld [smem:$0x3FFB];
	_ =	sdelay $0x3  }
0x92: {  	_ =	strace s18  }
0x93: {  	s3 =	sld [smem:$0x3FFC];
	_ =	sdelay $0x3  }
0x94: {  	_ =	strace s3  }
0x95: {  	s3 =	sld [smem:$0x3FFD];
	_ =	sdelay $0x3  }
0x96: {  	_ =	strace s3  }
0x97: {  	_ =	strace $0x8FFFFFFF  }
0x98: {  	s19 =	sld [smem:$0x3FDB];
	_ =	sdelay $0x1  }
0x99: {  	s4 =	simm.s32 $_scs_section_size  }
0x9a: {  	s5 =	simm.s32 $_size__tile_overlayer_lowered;
	s6 =	simm.s32 $_tile_overlayer_lowered  }
0x9b: {  	s22 =	simm.s32 $0x1BFF;
	s21 =	sshll.u32 s6, $0x1;
	s3 =	sadd.s32 s4, s19  }
0x9c: {  	s7 =	simm.s32 $0x0;
	s20 =	sshll.u32 s5, $0x1;
	s5 =	sadd.s32 s21, s3  }
0x9d: {  	[timem:s7], [sflag:s22] =	dma.local [hbm:s5], s20  }
0x9e: {  	_ =	swait.ge [sflag:s22], s20  }
0x9f: {  	s4 =	ssub.s32 $0x0, s20;
	[sflag:s22] =	ssyncset.done $0x0  }
0xa0: {  	[sflag:s22] =	ssyncadd.s32 s4;
	_ =	sdelay $0x1  }
0xa1: {  	s23 =	simm.s32 $0x1B8B  }
0xa2: {  	_ =	swait.ge [sflag:s23], $0x1  }
0xa3: {  	[sflag:s23] =	ssyncset.done $0x0  }
0xa4: {  	s25 =	simm.s32 $0x1B8E;
	s24 =	sld [smem:$0x3FFE];
	[sflag:s23] =	ssyncadd.s32 $0xFFFFFFFF  }
0xa5: {  	s26 =	simm.s32 $execute0_lowered;
	[smem:$0x3FD2] =	sst s25  }
0xa6: {  	s5 =	sshll.u32 s26, $0x1;
	_ =	strace $0x80000046;
	[dreg:$0x1] =	wrdreg $0xFFFFFFFF  }
0xa7: {  	s28 =	simm.s32 $_size_execute0_lowered;
	s3 =	sadd.s32 s3, s5;
	[dreg:$0x0] =	wrdreg $0x0  }
0xa8: {  	s5 =	sshll.u32 s28, $0x1;
	[dreg:$0x2] =	wrdreg s3  }
0xa9: {  	[dreg:$0x3] =	wrdreg s5  }
0xaa: {  	[dreg:$0x4] =	wrdreg $0xC0  }
0xab: {  	_ =	task [dreg:s7], $0x5FFFF  }
0xac: {  	[dreg:$0x1] =	wrdreg $0xFFFFFFFF  }
0xad: {  	[dreg:$0x0] =	wrdreg $0x60  }
0xae: {  	[dreg:$0x2] =	wrdreg s24  }
0xaf: {  	[dreg:$0x3] =	wrdreg s2  }
0xb0: {  	[dreg:$0x4] =	wrdreg $0x0  }
0xb1: {  	[dreg:$0x5] =	wrdreg $0x9  }
0xb2: {  	_ =	task.clear_ibuf [dreg:s7], $0x6FFFF;
	_ =	strace $0x90000046  }
0xb3: {  	s29 =	simm.s32 $0x9;
	_ =	strace $0x80000048  }
0xb4: {  	_ =	swait.ge [sflag:s29], $0x1  }
0xb5: {  	[sflag:s29] =	ssyncadd.s32 $0xFFFFFFFF  }
0xb6: {  	_ =	strace $0x90000048  }
0xb7: {  	_ =	sfence  }
0xb8: {  	s30 =	sld [smem:$0x0];
	_ =	sdelay $0x2  }
0xb9: {  	s31 =	sshll.u32 s1, $0xD;
	s1 =	sshrl.u32 s1, $0x2  }
0xba: {  	s3 =	sand.u32 $0x4000, s31;
	s1 =	sadd.s32 s1, s30  }
0xbb: {  	s0 =	sor.u32 s3, s0;
	s1 =	sshll.u32 s1, $0x11  }
0xbc: {  	s0 =	sor.u32 s1, s0  }
0xbd: {  	s0 =	sadd.s32 $0x8F2B, s0  }
0xbe: {  	[sflag:s0] =	ssyncadd.remote.s32 $0x1  }
0xbf: {  	_ =	sfence.sel $0xFFFF  }
0xc0: {  	[dreg:$0x0] =	wrdreg $0xFFFFFFFF;
	(pc) =	sbr.abs _section_cstart, $3  }
0xc1: {  	[dreg:$0x1] =	wrdreg $0xFFFFFFFF  }
0xc2: {  	_ =	task.clear_ibuf [dreg:s7], $0x2FFFF;
	_ =	strace $0x9FFFFFFF  }
0xc3: {  	(tm) =	ssettm $0x7FFFFFFF  }
tec
execute0_lowered:
.L_overlay_start_1:
0x0: {  	(tag) =	ssettag $0x1  }
0x1: {  	s0 =	srdreg.scid;
	s3 =	rddreg [dreg:$0x0]  }
0x2: {  	s8 =	stileid.u32;
	s7 =	rddreg [dreg:$0x1];
	s11 =	simm.s32 $0x2980  }
0x3: {  	s12 =	simm.s32 $0x5100;
	s13 =	simm.s32 $0x1;
	s14 =	simm.s32 $0x28  }
0x4: {  	s15 =	simm.s32 $0xA000;
	s31 =	simm.s32 $0xB400;
	s16 =	simm.s32 $0xC800  }
0x5: {  	s17 =	simm.s32 $0xDC00;
	s18 =	simm.s32 $0xF000;
	s19 =	simm.s32 $0x10400  }
0x6: {  	s20 =	simm.s32 $0x11800;
	s21 =	simm.s32 $0x12C00;
	s22 =	simm.s32 $0x14000  }
0x7: {  	s23 =	simm.s32 $0x15400;
	s24 =	simm.s32 $0x2;
	s25 =	simm.s32 $0x3  }
0x8: {  	s26 =	simm.s32 $0x0;
	s0 =	sand.u32 $0x1, s0;
	s1 =	sshll.u32 s8, $0x1  }
0x9: {  	s9 =	smul.u32 $0x4E200, s8;
	p0 =	sne.s32 s8, $0x0;
	s2 =	sor.u32 s0, s1  }
0xa: {  	s1 =	rddreg [dreg:$0x2];
	s30 =	ssub.s32 $0x2, s0;
	s0 =	smul.u32 $0x27100, s0  }
0xb: {  	s4 =	smul.u32 $0x2710, s2;
	s2 =	simm.s32 $0x0;
	s5 =	sshrl.u32 s30, $0x1  }
0xc: {  	s9 =	sadd.s32 s9, s7;
	[smem:$0x7FF] =	sst s2;
	s10 =	ssub.s32 s30, s5  }
0xd: {  	s0 =	sadd.s32 s0, s9;
	s9 =	sshrl.u32 @!p0 s1, $0x3;
	s4 =	sshrl.u32 s4, $0x3  }
0xe: {  	_ =	strace $0x80000047;
	s7 =	smax.u32 s10, $0x1;
	s8 =	sadd.s32 $0xC80, s0  }
0xf: {  	[dreg:$0x4] =	wrdreg s31;
	s6 =	sadd.s32 s4, s3;
	s3 =	sadd.s32 $0x1DC00, s3  }
0x10: {  	s4 =	sadd.s32 $0x600, s6;
	s5 =	sadd.s32 $0xA240, s6;
	s6 =	sadd.s32 $0x13E80, s6  }
.LBB2_1:
0x11: {  	s0 =	simm.s32 @!p0 $0x1C04  }
0x12: {  	[spmem:s9], [sflag:s0] =	dma.local @!p0 [hbm:s3], $0x400  }
0x13: {  	s0 =	simm.s32 @!p0 $0x4  }
0x14: {  	_ =	swait.ge @!p0 [sflag:s0], $0x400  }
0x15: {  	[sflag:s0] =	ssyncset.done @!p0 $0x0  }
0x16: {  	[sflag:s0] =	ssyncadd.s32 @!p0 $0xFFFFFC00  }
0x17: {  	s31 =	simm.s32 $0x200;
	[bflag:$0x0] =	sbarrier.arrive $0xFFFF  }
0x18: {  	[tilespmem:s31], [sflag:$0x1] =	stream.linear.gather [hbm4b:s4+s2], $0x2710, $0x38;
	[tilespmem:$0x16800] =	vst v63  }
0x19: {  	_ = 	snop  }
0x1a: {  	[tilespmem:s11], [sflag:$0x1] =	stream.linear.gather [hbm4b:s5+s2], $0x2710, $0x38;
	[tilespmem:$0x16800] =	vst v63  }
0x1b: {  	_ = 	snop  }
0x1c: {  	[tilespmem:s12], [sflag:$0x1] =	stream.linear.gather [hbm4b:s6+s2], $0x2710, $0x38;
	[tilespmem:$0x16800] =	vst v63  }
0x1d: {  	_ =	swait.ge [sflag:s13], $0x2710  }
0x1e: {  	[sflag:s13] =	ssyncset.done $0x0  }
0x1f: {  	[sflag:s13] =	ssyncadd.s32 $0xFFFFD8F0  }
0x20: {  	_ =	swait.ge [sflag:s13], $0x2710  }
0x21: {  	[sflag:s13] =	ssyncset.done $0x0  }
0x22: {  	[sflag:s13] =	ssyncadd.s32 $0xFFFFD8F0  }
0x23: {  	_ =	swait.ge [sflag:s13], $0x2710  }
0x24: {  	s28 =	simm.s32 $0x0;
	[sflag:s13] =	ssyncset.done $0x0  }
0x25: {  	s29 =	smov.u32 s8;
	s30 =	simm.s32 $0x0;
	[sflag:s13] =	ssyncadd.s32 $0xFFFFD8F0  }
.LBB2_2:
0x26: {  	s31 =	sshra.s32 s30, $0x2  }
0x27: {  	v0 =	vld [tilespmem:s31+$0x200]  }
0x28: {  	v1 =	vld [tilespmem:s31+$0x2980]  }
0x29: {  	v2 =	vld [tilespmem:s31+$0x5100]  }
0x2a: {  	v3 =	vld [tilespmem:s31+$0x210]  }
0x2b: {  	v4 =	vld [tilespmem:s31+$0x2990]  }
0x2c: {  	v5 =	vld [tilespmem:s31+$0x5110]  }
0x2d: {  	v6 =	vld [tilespmem:s31+$0x220]  }
0x2e: {  	v7 =	vld [tilespmem:s31+$0x29A0]  }
0x2f: {  	v9 =	vld [tilespmem:s31+$0x230]  }
0x30: {  	v10 =	vld [tilespmem:s31+$0x29B0]  }
0x31: {  	v11 =	vld [tilespmem:s31+$0x5130]  }
0x32: {  	v12 =	vld [tilespmem:s31+$0x240]  }
0x33: {  	v13 =	vld [tilespmem:s31+$0x29C0]  }
0x34: {  	v14 =	vld [tilespmem:s31+$0x5140]  }
0x35: {  	v15 =	vld [tilespmem:s31+$0x250]  }
0x36: {  	v16 =	vld [tilespmem:s31+$0x29D0]  }
0x37: {  	v17 =	vld [tilespmem:s31+$0x5150]  }
0x38: {  	v51 =	vld [tilespmem:s31+$0x260];
	v0 =	vmul.u32 $0xC, v0;
	v1 =	vshll.u32 v1, $0x1  }
0x39: {  	v53 =	vld [tilespmem:s31+$0x29E0];
	v3 =	vmul.u32 $0xC, v3;
	v50 =	vshll.u32 v4, $0x1;
	v52 =	vmul.u32 $0xC, v6  }
0x3a: {  	v56 =	vld [tilespmem:s31+$0x270];
	v55 =	vmul.u32 $0xC, v9;
	v57 =	vshll.u32 v10, $0x1;
	v58 =	vmul.u32 $0xC, v12  }
0x3b: {  	v59 =	vld [tilespmem:s31+$0x29F0];
	v62 =	vshll.u32 v13, $0x1;
	v15 =	vmul.u32 $0xC, v15;
	v0 =	vadd.s32 v0, v1  }
0x3c: {  	v63 =	vld [tilespmem:s31+$0x5160];
	v20 =	vshll.u32 v16, $0x1;
	v1 =	vadd.s32 v3, v50;
	v0 =	vadd.s32 v2, v0  }
0x3d: {  	v18 =	vld [tilespmem:s31+$0x5170];
	v4 =	vmul.u32 $0xC, v51;
	v61 =	vadd.s32 v55, v57;
	v1 =	vadd.s32 v5, v1;
	[tilespmem:s31+$0x7880] =	vst v0  }
0x3e: {  	v8 =	vld [tilespmem:s31+$0x5120];
	v22 =	vshll.u32 v53, $0x1;
	v13 =	vadd.s32 v58, v62;
	v12 =	vadd.s32 v11, v61;
	[tilespmem:s31+$0x7890] =	vst v1  }
0x3f: {  	v23 =	vmul.u32 $0xC, v56;
	v21 =	vadd.s32 v15, v20;
	v19 =	vadd.s32 v14, v13;
	[tilespmem:s31+$0x78B0] =	vst v12  }
0x40: {  	v26 =	vshll.u32 v59, $0x1;
	v25 =	vadd.s32 v4, v22;
	v24 =	vadd.s32 v17, v21;
	[tilespmem:s31+$0x78C0] =	vst v19  }
0x41: {  	v54 =	vshll.u32 v7, $0x1;
	v28 =	vadd.s32 v23, v26;
	v27 =	vadd.s32 v63, v25;
	[tilespmem:s31+$0x78D0] =	vst v24  }
0x42: {  	v2 =	vadd.s32 v52, v54;
	v29 =	vadd.s32 v18, v28;
	[tilespmem:s31+$0x78E0] =	vst v27  }
0x43: {  	v60 =	vadd.s32 v8, v2;
	[tilespmem:s31+$0x78F0] =	vst v29  }
0x44: {  	s0 =	sand.u32 $0x3FF0, s28;
	[tilespmem:s31+$0x78A0] =	vst v60  }
0x45: {  	v0 =	vld [tilespmem:s0+$0x280]  }
0x46: {  	v30 =	vld [tilespmem:s0+$0x2A00];
	_ =	sdelay $0x1  }
0x47: {  	v31 =	vld [tilespmem:s0+$0x5180];
	_ =	sdelay $0x1  }
0x48: {  	v0 =	vmul.u32 $0xC, v0  }
0x49: {  	v1 =	vshll.u32 v30, $0x1  }
0x4a: {  	v0 =	vadd.s32 v0, v1  }
0x4b: {  	v0 =	vadd.s32 v31, v0  }
0x4c: {  	[tilespmem:s0+$0x7900] =	vst v0  }
0x4d: {  	v0 =	vld [tilespmem:s31+$0x290]  }
0x4e: {  	v32 =	vld [tilespmem:s31+$0x2A10]  }
0x4f: {  	v33 =	vld [tilespmem:s31+$0x5190]  }
0x50: {  	v34 =	vld [tilespmem:s31+$0x2A0]  }
0x51: {  	v35 =	vld [tilespmem:s31+$0x2A20]  }
0x52: {  	v36 =	vld [tilespmem:s31+$0x51A0]  }
0x53: {  	v37 =	vld [tilespmem:s31+$0x2B0]  }
0x54: {  	v38 =	vld [tilespmem:s31+$0x2A30]  }
0x55: {  	v39 =	vld [tilespmem:s31+$0x51B0]  }
0x56: {  	v40 =	vld [tilespmem:s31+$0x2C0]  }
0x57: {  	v41 =	vld [tilespmem:s31+$0x2A40]  }
0x58: {  	v42 =	vld [tilespmem:s31+$0x51C0]  }
0x59: {  	v43 =	vld [tilespmem:s31+$0x2D0]  }
0x5a: {  	v44 =	vld [tilespmem:s31+$0x2A50]  }
0x5b: {  	v46 =	vld [tilespmem:s31+$0x2E0]  }
0x5c: {  	v48 =	vld [tilespmem:s31+$0x2A60];
	v0 =	vmul.u32 $0xC, v0  }
0x5d: {  	v51 =	vld [tilespmem:s31+$0x2F0];
	v1 =	vshll.u32 v32, $0x1;
	v47 =	vmul.u32 $0xC, v34;
	v49 =	vshll.u32 v35, $0x1  }
0x5e: {  	v54 =	vld [tilespmem:s31+$0x2A70];
	v50 =	vmul.u32 $0xC, v37;
	v52 =	vshll.u32 v38, $0x1;
	v53 =	vmul.u32 $0xC, v40  }
0x5f: {  	v56 =	vld [tilespmem:s31+$0x51E0];
	v55 =	vshll.u32 v41, $0x1;
	v59 =	vmul.u32 $0xC, v43;
	v0 =	vadd.s32 v0, v1  }
0x60: {  	v60 =	vld [tilespmem:s31+$0x51F0];
	v63 =	vmul.u32 $0xC, v46;
	v1 =	vadd.s32 v47, v49;
	v0 =	vadd.s32 v33, v0  }
0x61: {  	v45 =	vld [tilespmem:s31+$0x51D0];
	v12 =	vshll.u32 v48, $0x1;
	v2 =	vadd.s32 v50, v52;
	v1 =	vadd.s32 v36, v1;
	[tilespmem:s31+$0x7910] =	vst v0  }
0x62: {  	v13 =	vmul.u32 $0xC, v51;
	v58 =	vadd.s32 v53, v55;
	v57 =	vadd.s32 v39, v2;
	[tilespmem:s31+$0x7920] =	vst v1  }
0x63: {  	v16 =	vshll.u32 v54, $0x1;
	v15 =	vadd.s32 v63, v12;
	v61 =	vadd.s32 v42, v58;
	[tilespmem:s31+$0x7930] =	vst v57  }
0x64: {  	v62 =	vshll.u32 v44, $0x1;
	v18 =	vadd.s32 v13, v16;
	v17 =	vadd.s32 v56, v15;
	[tilespmem:s31+$0x7940] =	vst v61  }
0x65: {  	v11 =	vadd.s32 v59, v62;
	v19 =	vadd.s32 v60, v18;
	[tilespmem:s31+$0x7960] =	vst v17  }
0x66: {  	v0 =	vadd.s32 v45, v11;
	[tilespmem:s31+$0x7970] =	vst v19  }
0x67: {  	[tilespmem:s31+$0x7950] =	vst v0  }
0x68: {  	v0 =	vld [tilespmem:s0+$0x300]  }
0x69: {  	v20 =	vld [tilespmem:s0+$0x2A80];
	_ =	sdelay $0x1  }
0x6a: {  	v21 =	vld [tilespmem:s0+$0x5200];
	_ =	sdelay $0x1  }
0x6b: {  	v0 =	vmul.u32 $0xC, v0  }
0x6c: {  	v1 =	vshll.u32 v20, $0x1  }
0x6d: {  	v0 =	vadd.s32 v0, v1  }
0x6e: {  	v0 =	vadd.s32 v21, v0  }
0x6f: {  	[tilespmem:s0+$0x7980] =	vst v0  }
0x70: {  	v0 =	vld [tilespmem:s31+$0x310]  }
0x71: {  	v22 =	vld [tilespmem:s31+$0x2A90]  }
0x72: {  	v23 =	vld [tilespmem:s31+$0x5210]  }
0x73: {  	v24 =	vld [tilespmem:s31+$0x320]  }
0x74: {  	v25 =	vld [tilespmem:s31+$0x2AA0]  }
0x75: {  	v26 =	vld [tilespmem:s31+$0x5220]  }
0x76: {  	v27 =	vld [tilespmem:s31+$0x330]  }
0x77: {  	v28 =	vld [tilespmem:s31+$0x2AB0]  }
0x78: {  	v29 =	vld [tilespmem:s31+$0x5230]  }
0x79: {  	v30 =	vld [tilespmem:s31+$0x340]  }
0x7a: {  	v31 =	vld [tilespmem:s31+$0x2AC0]  }
0x7b: {  	v32 =	vld [tilespmem:s31+$0x5240]  }
0x7c: {  	v33 =	vld [tilespmem:s31+$0x350]  }
0x7d: {  	v34 =	vld [tilespmem:s31+$0x2AD0]  }
0x7e: {  	v36 =	vld [tilespmem:s31+$0x360]  }
0x7f: {  	v38 =	vld [tilespmem:s31+$0x2AE0];
	v0 =	vmul.u32 $0xC, v0  }
0x80: {  	v41 =	vld [tilespmem:s31+$0x370];
	v1 =	vshll.u32 v22, $0x1;
	v37 =	vmul.u32 $0xC, v24;
	v39 =	vshll.u32 v25, $0x1  }
0x81: {  	v44 =	vld [tilespmem:s31+$0x2AF0];
	v40 =	vmul.u32 $0xC, v27;
	v42 =	vshll.u32 v28, $0x1;
	v43 =	vmul.u32 $0xC, v30  }
0x82: {  	v46 =	vld [tilespmem:s31+$0x5260];
	v45 =	vshll.u32 v31, $0x1;
	v49 =	vmul.u32 $0xC, v33;
	v0 =	vadd.s32 v0, v1  }
0x83: {  	v50 =	vld [tilespmem:s31+$0x5270];
	v53 =	vmul.u32 $0xC, v36;
	v1 =	vadd.s32 v37, v39;
	v0 =	vadd.s32 v23, v0  }
0x84: {  	v35 =	vld [tilespmem:s31+$0x5250];
	v55 =	vshll.u32 v38, $0x1;
	v2 =	vadd.s32 v40, v42;
	v1 =	vadd.s32 v26, v1;
	[tilespmem:s31+$0x7990] =	vst v0  }
0x85: {  	v56 =	vmul.u32 $0xC, v41;
	v48 =	vadd.s32 v43, v45;
	v47 =	vadd.s32 v29, v2;
	[tilespmem:s31+$0x79A0] =	vst v1  }
0x86: {  	v58 =	vshll.u32 v44, $0x1;
	v57 =	vadd.s32 v53, v55;
	v51 =	vadd.s32 v32, v48;
	[tilespmem:s31+$0x79B0] =	vst v47  }
0x87: {  	v52 =	vshll.u32 v34, $0x1;
	v60 =	vadd.s32 v56, v58;
	v59 =	vadd.s32 v46, v57;
	[tilespmem:s31+$0x79C0] =	vst v51  }
0x88: {  	v54 =	vadd.s32 v49, v52;
	v61 =	vadd.s32 v50, v60;
	[tilespmem:s31+$0x79E0] =	vst v59  }
0x89: {  	v0 =	vadd.s32 v35, v54;
	[tilespmem:s31+$0x79F0] =	vst v61  }
0x8a: {  	[tilespmem:s31+$0x79D0] =	vst v0  }
0x8b: {  	v0 =	vld [tilespmem:s0+$0x380]  }
0x8c: {  	v62 =	vld [tilespmem:s0+$0x2B00];
	_ =	sdelay $0x1  }
0x8d: {  	v63 =	vld [tilespmem:s0+$0x5280];
	_ =	sdelay $0x1  }
0x8e: {  	v0 =	vmul.u32 $0xC, v0  }
0x8f: {  	v1 =	vshll.u32 v62, $0x1  }
0x90: {  	v0 =	vadd.s32 v0, v1  }
0x91: {  	p1 =	seq.s32 s30, $0x0;
	v0 =	vadd.s32 v63, v0  }
0x92: {  	[tilespmem:s0+$0x7A00] =	vst v0;
	s0 =	simm.s32 @!p1 $0x2  }
0x93: {  	_ =	swait.ge @!p1 [sflag:s0], $0x6400  }
0x94: {  	[sflag:s0] =	ssyncset.done @!p1 $0x0  }
0x95: {  	s10 =	sadd.s32 $0x7880, s31;
	[sflag:s0] =	ssyncadd.s32 @!p1 $0xFFFF9C00  }
0x96: {  	[tilespmem:s15], [sflag:$0x1] =	stream.indirect.gather [spmem:s1], $0x80, s10, s14, $0xb8;
	[tilespmem:$0x16800] =	vst v63  }
0x97: {  	s0 =	rddreg [dreg:$0x4];
	s10 =	sadd.s32 $0x78A8, s31  }
0x98: {  	[tilespmem:s0], [sflag:$0x1] =	stream.indirect.gather [spmem:s1], $0x80, s10, s14, $0xb8;
	[tilespmem:$0x16800] =	vst v63  }
0x99: {  	s10 =	sadd.s32 $0x78D0, s31  }
0x9a: {  	[tilespmem:s16], [sflag:$0x1] =	stream.indirect.gather [spmem:s1], $0x80, s10, s14, $0xb8;
	[tilespmem:$0x16800] =	vst v63  }
0x9b: {  	s10 =	sadd.s32 $0x78F8, s31  }
0x9c: {  	[tilespmem:s17], [sflag:$0x1] =	stream.indirect.gather [spmem:s1], $0x80, s10, s14, $0xb8;
	[tilespmem:$0x16800] =	vst v63  }
0x9d: {  	s10 =	sadd.s32 $0x7920, s31  }
0x9e: {  	[tilespmem:s18], [sflag:$0x1] =	stream.indirect.gather [spmem:s1], $0x80, s10, s14, $0xb8;
	[tilespmem:$0x16800] =	vst v63  }
0x9f: {  	_ =	swait.ge [sflag:s13], $0x1400  }
0xa0: {  	[sflag:s13] =	ssyncset.done $0x0  }
0xa1: {  	[sflag:s13] =	ssyncadd.s32 $0xFFFFEC00  }
0xa2: {  	_ =	swait.ge [sflag:s13], $0x1400  }
0xa3: {  	[sflag:s13] =	ssyncset.done $0x0  }
0xa4: {  	[sflag:s13] =	ssyncadd.s32 $0xFFFFEC00  }
0xa5: {  	_ =	swait.ge [sflag:s13], $0x1400  }
0xa6: {  	[sflag:s13] =	ssyncset.done $0x0  }
0xa7: {  	[sflag:s13] =	ssyncadd.s32 $0xFFFFEC00  }
0xa8: {  	_ =	swait.ge [sflag:s13], $0x1400  }
0xa9: {  	[sflag:s13] =	ssyncset.done $0x0  }
0xaa: {  	[sflag:s13] =	ssyncadd.s32 $0xFFFFEC00  }
0xab: {  	_ =	swait.ge [sflag:s13], $0x1400  }
0xac: {  	[sflag:s13] =	ssyncset.done $0x0  }
0xad: {  	s0 =	simm.s32 @!p1 $0x3;
	s10 =	sadd.s32 $0xFFFFF380, s29;
	[sflag:s13] =	ssyncadd.s32 $0xFFFFEC00  }
0xae: {  	[hbm4b:s10+s2] =	stream.linear.scatter [tilespmem:s15], [sflag:$0x2], $0x6400, $0x38;
	[tilespmem:$0x16800] =	vst v63  }
0xaf: {  	_ =	swait.ge @!p1 [sflag:s0], $0x6400  }
0xb0: {  	[sflag:s0] =	ssyncset.done @!p1 $0x0  }
0xb1: {  	s10 =	sadd.s32 $0x7948, s31;
	[sflag:s0] =	ssyncadd.s32 @!p1 $0xFFFF9C00  }
0xb2: {  	[tilespmem:s19], [sflag:$0x1] =	stream.indirect.gather [spmem:s1], $0x80, s10, s14, $0xb8;
	[tilespmem:$0x16800] =	vst v63  }
0xb3: {  	s10 =	sadd.s32 $0x7970, s31  }
0xb4: {  	[tilespmem:s20], [sflag:$0x1] =	stream.indirect.gather [spmem:s1], $0x80, s10, s14, $0xb8;
	[tilespmem:$0x16800] =	vst v63  }
0xb5: {  	s10 =	sadd.s32 $0x7998, s31  }
0xb6: {  	[tilespmem:s21], [sflag:$0x1] =	stream.indirect.gather [spmem:s1], $0x80, s10, s14, $0xb8;
	[tilespmem:$0x16800] =	vst v63  }
0xb7: {  	s10 =	sadd.s32 $0x79C0, s31  }
0xb8: {  	[tilespmem:s22], [sflag:$0x1] =	stream.indirect.gather [spmem:s1], $0x80, s10, s14, $0xb8;
	[tilespmem:$0x16800] =	vst v63  }
0xb9: {  	s31 =	sadd.s32 $0x79E8, s31  }
0xba: {  	[tilespmem:s23], [sflag:$0x1] =	stream.indirect.gather [spmem:s1], $0x80, s31, s14, $0xb8;
	[tilespmem:$0x16800] =	vst v63  }
0xbb: {  	_ =	swait.ge [sflag:s13], $0x1400  }
0xbc: {  	[sflag:s13] =	ssyncset.done $0x0  }
0xbd: {  	[sflag:s13] =	ssyncadd.s32 $0xFFFFEC00  }
0xbe: {  	_ =	swait.ge [sflag:s13], $0x1400  }
0xbf: {  	[sflag:s13] =	ssyncset.done $0x0  }
0xc0: {  	[sflag:s13] =	ssyncadd.s32 $0xFFFFEC00  }
0xc1: {  	_ =	swait.ge [sflag:s13], $0x1400  }
0xc2: {  	[sflag:s13] =	ssyncset.done $0x0  }
0xc3: {  	[sflag:s13] =	ssyncadd.s32 $0xFFFFEC00  }
0xc4: {  	_ =	swait.ge [sflag:s13], $0x1400  }
0xc5: {  	s30 =	sadd.s32 $0x640, s30;
	[sflag:s13] =	ssyncset.done $0x0  }
0xc6: {  	p1 =	sne.s32 s30, $0x9C40;
	[sflag:s13] =	ssyncadd.s32 $0xFFFFEC00  }
.Ltmp0:
0xc7: {  	_ =	swait.ge [sflag:s13], $0x1400;
	(pc) =	sbr.rel @p1 .LBB2_2-.Ltmp0, $4  }
0xc8: {  	[sflag:s13] =	ssyncset.done $0x0  }
0xc9: {  	[sflag:s13] =	ssyncadd.s32 $0xFFFFEC00  }
0xca: {  	[hbm4b:s29+s2] =	stream.linear.scatter [tilespmem:s19], [sflag:$0x3], $0x6400, $0x38;
	[tilespmem:$0x16800] =	vst v63  }
0xcb: {  	s28 =	sadd.s32 $0x190, s28;
	s29 =	sadd.s32 $0x1900, s29  }
0xcc: {  	s26 =	sadd.s32 $0x1, s26  }
0xcd: {  	_ =	swait.ge [sflag:s24], $0x6400;
	p1 =	sne.s32 s26, s7  }
.Ltmp1:
0xce: {  	[sflag:s24] =	ssyncset.done $0x0;
	(pc) =	sbr.rel @p1 .LBB2_1-.Ltmp1, $4  }
0xcf: {  	[sflag:s24] =	ssyncadd.s32 $0xFFFF9C00  }
0xd0: {  	_ =	swait.ge [sflag:s25], $0x6400  }
0xd1: {  	[sflag:s25] =	ssyncset.done $0x0  }
0xd2: {  	[sflag:s25] =	ssyncadd.s32 $0xFFFF9C00  }
0xd3: {  	_ =	sfence.sel $0x180000  }
0xd4: {  	[bflag:$0x0] =	sbarrier.arrive $0xFFFF  }
0xd5: {  	_ =	strace $0x90000047  }
0xd6: {  	[bflag:$0x2] =	sbarrier.arrive $0xFFFF  }
0xd7: {  	s0 =	rddreg [dreg:$0x3]  }
0xd8: {  	s0 =	sadd.s32 @!p0 $0x100000, s0  }
0xd9: {  	[sflag:s0] =	ssyncadd.tile.s32 @!p0 $0x1;
	_ =	shalt  }
.Lfunc_end2:
_tile_overlayer_lowered:
.L_overlay_start_2:
0xda: {  	(tag) =	ssettag $0x2  }
0xdb: {  	s0 =	rddreg [dreg:$0x0];
	s2 =	stileid.u32  }
0xdc: {  	s1 =	rddreg [dreg:$0x1];
	p0 =	sne.s32 s2, $0x0  }
0xdd: {  	s3 =	rddreg [dreg:$0x2];
	[bflag:$0x3] =	sbarrier.arrive $0xFFFF;
	s2 =	simm.s32 @!p0 $0x1C04  }
0xde: {  	[timem:s3], [sflag:s2] =	dma.local @!p0 [hbm:s0], s1  }
0xdf: {  	s0 =	simm.s32 @!p0 $0x4  }
0xe0: {  	_ =	swait.ge @!p0 [sflag:s0], s1  }
0xe1: {  	s1 =	ssub.s32 @!p0 $0x0, s1;
	[sflag:s0] =	ssyncset.done @!p0 $0x0  }
0xe2: {  	[sflag:s0] =	ssyncadd.s32 @!p0 s1  }
0xe3: {  	[bflag:$0x3] =	sbarrier.arrive $0xFFFF  }
0xe4: {  	_ =	shalt  }

</sc_bundles>
